<compile_context>
chip_gen: v7x
topology: tpu7x:2x2x1
jax: 0.10.2.dev20260603
libtpu: 0.0.44.dev20260713+nightly
codegen_flags: <defaults>
</compile_context>

<pallas_src>
import functools

import jax
import jax.numpy as jnp
from jax import lax
from jax.experimental import pallas as pl
from jax.experimental.pallas import tpu as pltpu
from jax.experimental.pallas import tpu_sc as plsc


def _sc_cat_partials(tbl, stdp, x_t, y_t, B, F_CAT, NCAT, RANK, NPAD):
    info = plsc.get_sparse_core_info()
    NC, NS, L = info.num_cores, info.num_subcores, info.num_lanes
    NW = NC * NS
    NPAIR = B * F_CAT
    P = NPAIR // NW
    W = RANK // 2
    FS = NPAD * W
    groups = P // L

    @functools.partial(
        pl.kernel,
        out_type=jax.ShapeDtypeStruct((NPAIR,), jnp.float32),
        mesh=plsc.VectorSubcoreMesh(core_axis_name="c", subcore_axis_name="s"),
        compiler_params=pltpu.CompilerParams(
            needs_layout_passes=False, use_tc_tiling_on_sc=False
        ),
        scratch_types=[
            pltpu.VMEM((2 * FS,), jnp.int32),
            pltpu.VMEM((2 * NPAD,), jnp.float32),
            pltpu.VMEM((P,), jnp.int32),
            pltpu.VMEM((P,), jnp.int32),
            pltpu.VMEM((P,), jnp.float32),
        ],
    )
    def k(tbl_hbm, std_hbm, x_hbm, y_hbm, out_hbm, tbl_v, std_v, x_v, y_v, out_v):
        c = lax.axis_index("c")
        s = lax.axis_index("s")
        wid = s * NC + c
        q0 = wid * P
        f0 = q0 // B
        pltpu.sync_copy(tbl_hbm.at[pl.ds(f0 * FS, 2 * FS)], tbl_v)
        pltpu.sync_copy(std_hbm.at[pl.ds(f0 * NPAD, 2 * NPAD)], std_v)
        pltpu.sync_copy(x_hbm.at[pl.ds(q0, P)], x_v)
        pltpu.sync_copy(y_hbm.at[pl.ds(q0, P)], y_v)

        def group(g, carry):
            base = g * L
            df = (q0 + base) // B - f0
            toff = jnp.full((L,), df * FS, jnp.int32)
            soff = jnp.full((L,), df * NPAD, jnp.int32)
            bx = x_v[pl.ds(base, L)]
            by = y_v[pl.ds(base, L)]
            bxt = bx | toff
            byt = by | toff
            acc = jnp.zeros((L,), jnp.float32)
            for w in range(W):
                ix = plsc.load_gather(tbl_v, [bxt | (w * NPAD)])
                iy = plsc.load_gather(tbl_v, [byt | (w * NPAD)])
                pr = plsc.bitcast(ix, jnp.bfloat16) * plsc.bitcast(
                    iy, jnp.bfloat16
                )
                p0, p1 = plsc.unpack(pr, format=plsc.PackFormat.INTERLEAVED)
                acc = acc + (p0 + p1)
            sv = plsc.load_gather(std_v, [bx | soff])
            acc = acc + jnp.where(bx == by, sv * sv, jnp.zeros((L,), jnp.float32))
            out_v[pl.ds(base, L)] = acc
            return carry

        lax.fori_loop(0, groups, group, 0)
        pltpu.sync_copy(out_v, out_hbm.at[pl.ds(q0, P)])

    return k(tbl, stdp, x_t, y_t)


def _tc_cont(xc_t, yc_t, bw, ss, B, F_CONT):
    BLK = 2048

    def body(x_ref, y_ref, bw_ref, ss_ref, o_ref):
        d = x_ref[...] - y_ref[...]
        bwv = bw_ref[...]
        inv = 1.0 / (2.0 * bwv * bwv)
        scale = ss_ref[...] * ss_ref[...]
        o_ref[...] = jnp.sum(scale * jnp.exp(-(d * d) * inv), axis=0)

    return pl.pallas_call(
        body,
        grid=(B // BLK,),
        in_specs=[
            pl.BlockSpec((F_CONT, BLK), lambda i: (0, i)),
            pl.BlockSpec((F_CONT, BLK), lambda i: (0, i)),
            pl.BlockSpec((F_CONT, 1), lambda i: (0, 0)),
            pl.BlockSpec((F_CONT, 1), lambda i: (0, 0)),
        ],
        out_specs=pl.BlockSpec((BLK,), lambda i: (i,)),
        out_shape=jax.ShapeDtypeStruct((B,), jnp.float32),
    )(xc_t, yc_t, bw, ss)


def _tc_combine(partials_flat, cont, B, F_CAT):
    BLK = 8192
    nb = B // BLK

    def body(*refs):
        p_refs = refs[: F_CAT + 1]
        o_ref = refs[F_CAT + 1]
        acc = p_refs[0][...]
        for pr in p_refs[1:]:
            acc = acc + pr[...]
        o_ref[...] = acc

    cat_specs = [pl.BlockSpec((BLK,), lambda i: (i,))] + [
        pl.BlockSpec((BLK,), (lambda f: (lambda i: (f * nb + i,)))(f))
        for f in range(F_CAT)
    ]
    return pl.pallas_call(
        body,
        grid=(nb,),
        in_specs=cat_specs,
        out_specs=pl.BlockSpec((BLK,), lambda i: (i,)),
        out_shape=jax.ShapeDtypeStruct((B,), jnp.float32),
    )(cont, *([partials_flat] * F_CAT))


def kernel(x_cat, x_cont, y_cat, y_cont, bandwidth, sqrt_scale, std, covar_factor):
    B, F_CAT = x_cat.shape
    F_CONT = x_cont.shape[1]
    NCAT = std.shape[1]
    RANK = covar_factor.shape[2]
    NPAD = NCAT + (-NCAT) % 1024
    cf_b = covar_factor.transpose(0, 2, 1).astype(jnp.bfloat16)
    lo = lax.bitcast_convert_type(cf_b[:, 0::2, :], jnp.uint16).astype(
        jnp.int32
    )
    hi = lax.bitcast_convert_type(cf_b[:, 1::2, :], jnp.uint16).astype(
        jnp.int32
    )
    tbl = jnp.pad(
        lo | (hi << 16), ((0, 1), (0, 0), (0, NPAD - NCAT))
    ).reshape(-1)
    stdp = jnp.pad(std, ((0, 1), (0, NPAD - NCAT))).reshape(-1)
    partials = _sc_cat_partials(
        tbl,
        stdp,
        x_cat.T.reshape(-1),
        y_cat.T.reshape(-1),
        B,
        F_CAT,
        NCAT,
        RANK,
        NPAD,
    )
    cont = _tc_cont(
        x_cont.T,
        y_cont.T,
        bandwidth.reshape(F_CONT, 1),
        sqrt_scale.reshape(F_CONT, 1),
        B,
        F_CONT,
    )
    return _tc_combine(partials, cont, B, F_CAT)

# --- scband reference (transcript-rebuilt; emitter-appended) ---
"""Pipeline reference for scband-weighted-sum-kernel-32238024524412 (READ-ONLY COPY).

The authoritative reference and input builder live on the scoring server;
editing this copy changes nothing except your own understanding.
"""

import jax, jax.numpy as jnp
import numpy as np

B = 16384
F_CAT = 26
F_CONT = 13
NCAT = 1000
RANK = 16
FRACTION_DIAGONAL = 0.9


def setup_inputs(seed: int = 0) -> dict:
    key = jax.random.key(seed)
    k1, k2, k3, k4 = jax.random.split(key, 4)
    x_cat = jax.random.randint(k1, (B, F_CAT), 0, NCAT, dtype=jnp.int32)
    x_cont = jax.random.normal(k2, (B, F_CONT), dtype=jnp.float32)
    y_cat = jax.random.randint(k3, (B, F_CAT), 0, NCAT, dtype=jnp.int32)
    y_cont = jax.random.normal(k4, (B, F_CONT), dtype=jnp.float32)
    # learned params, initialized exactly as the torch module does
    train_cont = (jnp.arange(8, dtype=jnp.float32)[:, None]
                  + 0.1 * jnp.arange(F_CONT, dtype=jnp.float32)[None, :])
    # Silverman's rule (torch .std is unbiased -> ddof=1)
    bandwidth = 0.9 * jnp.std(train_cont, axis=0, ddof=1) * (train_cont.shape[0] ** (-0.2))
    sqrt_scale = jnp.ones((F_CONT,), dtype=jnp.float32)
    std = FRACTION_DIAGONAL * jnp.ones((F_CAT, NCAT), dtype=jnp.float32)
    covar_factor = ((1.0 - FRACTION_DIAGONAL) / np.sqrt(RANK)) * jnp.ones((F_CAT, NCAT, RANK), dtype=jnp.float32)
    return {
        "x_cat": x_cat, "x_cont": x_cont, "y_cat": y_cat, "y_cont": y_cont,
        "bandwidth": bandwidth, "sqrt_scale": sqrt_scale,
        "std": std, "covar_factor": covar_factor,
    }


def reference(x_cat, x_cont, y_cat, y_cont, bandwidth, sqrt_scale, std, covar_factor):
    # RBFKernel on continuous columns (reduced over features)
    scale = (sqrt_scale * sqrt_scale)[None, :]
    cov_cont = (scale * jnp.exp(-((x_cont - y_cont) ** 2) / (2.0 * bandwidth * bandwidth)[None, :])).sum(axis=-1)
    # IndexKernel on categorical columns: per-field low-rank + diagonal covariance, then gather
    cov = jnp.einsum('fnr,fmr->fnm', covar_factor, covar_factor)  # [F_CAT, NCAT, NCAT]
    diag_idx = jnp.arange(NCAT)
    cov = cov.at[:, diag_idx, diag_idx].add(std * std)
    f_idx = jnp.arange(F_CAT)[:, None]
    cat_vals = cov[f_idx, x_cat.T, y_cat.T]  # [F_CAT, B]
    cov_cat = cat_vals.sum(axis=0)
    return cov_cont + cov_cat

if __name__ == "__main__":
    import jax
    _d = setup_inputs()
    print(jax.jit(kernel)(*tuple(_d.values())))

</pallas_src>

<mosaic_0001>
#map = affine_map<(d0, d1) -> (0)>
module attributes {stable_mosaic.version = 14 : i64} {
  func.func @k(%arg0: i32, %arg1: i32, %arg2: memref<221184xi32, #tpu.memory_space<hbm>>, %arg3: memref<27648xf32, #tpu.memory_space<hbm>>, %arg4: memref<425984xi32, #tpu.memory_space<hbm>>, %arg5: memref<425984xi32, #tpu.memory_space<hbm>>, %arg6: memref<425984xf32, #tpu.memory_space<hbm>>, %arg7: memref<16384xi32, #tpu.memory_space<vmem>>, %arg8: memref<2048xf32, #tpu.memory_space<vmem>>, %arg9: memref<13312xi32, #tpu.memory_space<vmem>>, %arg10: memref<13312xi32, #tpu.memory_space<vmem>>, %arg11: memref<13312xf32, #tpu.memory_space<vmem>>) attributes {dimension_semantics = [#tpu.dimension_semantics<core_parallel>, #tpu.dimension_semantics<subcore_parallel>], iteration_bounds = array<i64: 2, 16>, scalar_prefetch = 0 : i64, scratch_operands = 5 : i64, tpu.core_type = #tpu.core_type<sc_vector_subcore>, window_params = [{transform_indices = #map}, {transform_indices = #map}, {transform_indices = #map}, {transform_indices = #map}, {transform_indices = #map}]} {
    %mul3A = arith.constant 2 : i32
    %mul3A_0 = arith.muli %arg1, %mul3A : i32
    %add3A = arith.addi %mul3A_0, %arg0 : i32
    %mul3A_1 = arith.constant 13312 : i32
    %mul3A_2 = arith.muli %add3A, %mul3A_1 : i32
    %jit3A = arith.constant 16384 : i32
    %div3A = arith.divsi %mul3A_2, %jit3A : i32
    %sign3A = arith.constant 0 : i32
    %sign3A_3 = arith.cmpi sgt, %mul3A_2, %sign3A : i32
    %sign3A_4 = arith.extui %sign3A_3 : i1 to i32
    %sign3A_5 = arith.constant 0 : i32
    %sign3A_6 = arith.cmpi slt, %mul3A_2, %sign3A_5 : i32
    %sign3A_7 = arith.extui %sign3A_6 : i1 to i32
    %sign3A_8 = arith.subi %sign3A_4, %sign3A_7 : i32
    %sign3A_9 = arith.constant 0 : i32
    %sign3A_10 = arith.cmpi sgt, %jit3A, %sign3A_9 : i32
    %sign3A_11 = arith.extui %sign3A_10 : i1 to i32
    %sign3A_12 = arith.constant 0 : i32
    %sign3A_13 = arith.cmpi slt, %jit3A, %sign3A_12 : i32
    %sign3A_14 = arith.extui %sign3A_13 : i1 to i32
    %sign3A_15 = arith.subi %sign3A_11, %sign3A_14 : i32
    %ne3A = arith.cmpi ne, %sign3A_8, %sign3A_15 : i32
    %rem3A = arith.remsi %mul3A_2, %jit3A : i32
    %ne3A_16 = arith.constant 0 : i32
    %ne3A_17 = arith.cmpi ne, %rem3A, %ne3A_16 : i32
    %and3A = arith.andi %ne3A, %ne3A_17 : i1
    %sub3A = arith.constant 1 : i32
    %sub3A_18 = arith.subi %div3A, %sub3A : i32
    %select_n3A = arith.select %and3A, %sub3A_18, %div3A : i32
    %mul3A_19 = arith.constant 8192 : i32
    %mul3A_20 = arith.muli %select_n3A, %mul3A_19 : i32
    "tpu.region"() ({
      %run_scoped3A = tpu.sem_alloc : memref<!tpu.dma_semaphore, #tpu.memory_space<semaphore_mem>>
      %dma_start3A = tpu.memref_slice %arg2[%mul3A_20] : memref<221184xi32, #tpu.memory_space<hbm>> -> memref<16384xi32, #tpu.memory_space<hbm>>
      %dma_start3A_28 = tpu.memref_slice %arg2[%mul3A_20] : memref<221184xi32, #tpu.memory_space<hbm>> -> memref<16384xi32, #tpu.memory_space<hbm>>
      tpu.enqueue_dma source(%dma_start3A_28 : memref<16384xi32, #tpu.memory_space<hbm>>) target(%arg7 : memref<16384xi32, #tpu.memory_space<vmem>>) target_semaphore(%run_scoped3A : memref<!tpu.dma_semaphore, #tpu.memory_space<semaphore_mem>>)
      %dma_wait3A = tpu.memref_slice %arg2[%mul3A_20] : memref<221184xi32, #tpu.memory_space<hbm>> -> memref<16384xi32, #tpu.memory_space<hbm>>
      %dma_wait3A_29 = tpu.memref_slice %arg2[%mul3A_20] : memref<221184xi32, #tpu.memory_space<hbm>> -> memref<16384xi32, #tpu.memory_space<hbm>>
      tpu.wait_dma2 semaphore(%run_scoped3A : memref<!tpu.dma_semaphore, #tpu.memory_space<semaphore_mem>>) src(%dma_wait3A_29 : memref<16384xi32, #tpu.memory_space<hbm>>) dst(%arg7 : memref<16384xi32, #tpu.memory_space<vmem>>)
      tpu.yield
    }) : () -> ()
    %mul3A_21 = arith.constant 1024 : i32
    %mul3A_22 = arith.muli %select_n3A, %mul3A_21 : i32
    "tpu.region"() ({
      %run_scoped3A = tpu.sem_alloc : memref<!tpu.dma_semaphore, #tpu.memory_space<semaphore_mem>>
      %dma_start3A = tpu.memref_slice %arg3[%mul3A_22] : memref<27648xf32, #tpu.memory_space<hbm>> -> memref<2048xf32, #tpu.memory_space<hbm>>
      %dma_start3A_28 = tpu.memref_slice %arg3[%mul3A_22] : memref<27648xf32, #tpu.memory_space<hbm>> -> memref<2048xf32, #tpu.memory_space<hbm>>
      tpu.enqueue_dma source(%dma_start3A_28 : memref<2048xf32, #tpu.memory_space<hbm>>) target(%arg8 : memref<2048xf32, #tpu.memory_space<vmem>>) target_semaphore(%run_scoped3A : memref<!tpu.dma_semaphore, #tpu.memory_space<semaphore_mem>>)
      %dma_wait3A = tpu.memref_slice %arg3[%mul3A_22] : memref<27648xf32, #tpu.memory_space<hbm>> -> memref<2048xf32, #tpu.memory_space<hbm>>
      %dma_wait3A_29 = tpu.memref_slice %arg3[%mul3A_22] : memref<27648xf32, #tpu.memory_space<hbm>> -> memref<2048xf32, #tpu.memory_space<hbm>>
      tpu.wait_dma2 semaphore(%run_scoped3A : memref<!tpu.dma_semaphore, #tpu.memory_space<semaphore_mem>>) src(%dma_wait3A_29 : memref<2048xf32, #tpu.memory_space<hbm>>) dst(%arg8 : memref<2048xf32, #tpu.memory_space<vmem>>)
      tpu.yield
    }) : () -> ()
    "tpu.region"() ({
      %run_scoped3A = tpu.sem_alloc : memref<!tpu.dma_semaphore, #tpu.memory_space<semaphore_mem>>
      %dma_start3A = tpu.memref_slice %arg4[%mul3A_2] : memref<425984xi32, #tpu.memory_space<hbm>> -> memref<13312xi32, #tpu.memory_space<hbm>>
      %dma_start3A_28 = tpu.memref_slice %arg4[%mul3A_2] : memref<425984xi32, #tpu.memory_space<hbm>> -> memref<13312xi32, #tpu.memory_space<hbm>>
      tpu.enqueue_dma source(%dma_start3A_28 : memref<13312xi32, #tpu.memory_space<hbm>>) target(%arg9 : memref<13312xi32, #tpu.memory_space<vmem>>) target_semaphore(%run_scoped3A : memref<!tpu.dma_semaphore, #tpu.memory_space<semaphore_mem>>)
      %dma_wait3A = tpu.memref_slice %arg4[%mul3A_2] : memref<425984xi32, #tpu.memory_space<hbm>> -> memref<13312xi32, #tpu.memory_space<hbm>>
      %dma_wait3A_29 = tpu.memref_slice %arg4[%mul3A_2] : memref<425984xi32, #tpu.memory_space<hbm>> -> memref<13312xi32, #tpu.memory_space<hbm>>
      tpu.wait_dma2 semaphore(%run_scoped3A : memref<!tpu.dma_semaphore, #tpu.memory_space<semaphore_mem>>) src(%dma_wait3A_29 : memref<13312xi32, #tpu.memory_space<hbm>>) dst(%arg9 : memref<13312xi32, #tpu.memory_space<vmem>>)
      tpu.yield
    }) : () -> ()
    "tpu.region"() ({
      %run_scoped3A = tpu.sem_alloc : memref<!tpu.dma_semaphore, #tpu.memory_space<semaphore_mem>>
      %dma_start3A = tpu.memref_slice %arg5[%mul3A_2] : memref<425984xi32, #tpu.memory_space<hbm>> -> memref<13312xi32, #tpu.memory_space<hbm>>
      %dma_start3A_28 = tpu.memref_slice %arg5[%mul3A_2] : memref<425984xi32, #tpu.memory_space<hbm>> -> memref<13312xi32, #tpu.memory_space<hbm>>
      tpu.enqueue_dma source(%dma_start3A_28 : memref<13312xi32, #tpu.memory_space<hbm>>) target(%arg10 : memref<13312xi32, #tpu.memory_space<vmem>>) target_semaphore(%run_scoped3A : memref<!tpu.dma_semaphore, #tpu.memory_space<semaphore_mem>>)
      %dma_wait3A = tpu.memref_slice %arg5[%mul3A_2] : memref<425984xi32, #tpu.memory_space<hbm>> -> memref<13312xi32, #tpu.memory_space<hbm>>
      %dma_wait3A_29 = tpu.memref_slice %arg5[%mul3A_2] : memref<425984xi32, #tpu.memory_space<hbm>> -> memref<13312xi32, #tpu.memory_space<hbm>>
      tpu.wait_dma2 semaphore(%run_scoped3A : memref<!tpu.dma_semaphore, #tpu.memory_space<semaphore_mem>>) src(%dma_wait3A_29 : memref<13312xi32, #tpu.memory_space<hbm>>) dst(%arg10 : memref<13312xi32, #tpu.memory_space<vmem>>)
      tpu.yield
    }) : () -> ()
    %scan3A = arith.constant 0 : i32
    %scan3A_23 = arith.constant 0 : i32
    %scan3A_24 = arith.constant 832 : i32
    %scan3A_25 = arith.addi %scan3A_23, %scan3A_24 : i32
    %scan3A_26 = arith.constant 1 : i32
    scf.for %scan3A_28 = %scan3A_23 to %scan3A_25 step %scan3A_26  : i32 {
      %mul3A_29 = arith.constant 16 : i32
      %mul3A_30 = arith.muli %scan3A_28, %mul3A_29 : i32
      %add3A_31 = arith.addi %mul3A_2, %mul3A_30 : i32
      %jit3A_32 = arith.constant 16384 : i32
      %div3A_33 = arith.divsi %add3A_31, %jit3A_32 : i32
      %sign3A_34 = arith.constant 0 : i32
      %sign3A_35 = arith.cmpi sgt, %add3A_31, %sign3A_34 : i32
      %sign3A_36 = arith.extui %sign3A_35 : i1 to i32
      %sign3A_37 = arith.constant 0 : i32
      %sign3A_38 = arith.cmpi slt, %add3A_31, %sign3A_37 : i32
      %sign3A_39 = arith.extui %sign3A_38 : i1 to i32
      %sign3A_40 = arith.subi %sign3A_36, %sign3A_39 : i32
      %sign3A_41 = arith.constant 0 : i32
      %sign3A_42 = arith.cmpi sgt, %jit3A_32, %sign3A_41 : i32
      %sign3A_43 = arith.extui %sign3A_42 : i1 to i32
      %sign3A_44 = arith.constant 0 : i32
      %sign3A_45 = arith.cmpi slt, %jit3A_32, %sign3A_44 : i32
      %sign3A_46 = arith.extui %sign3A_45 : i1 to i32
      %sign3A_47 = arith.subi %sign3A_43, %sign3A_46 : i32
      %ne3A_48 = arith.cmpi ne, %sign3A_40, %sign3A_47 : i32
      %rem3A_49 = arith.remsi %add3A_31, %jit3A_32 : i32
      %ne3A_50 = arith.constant 0 : i32
      %ne3A_51 = arith.cmpi ne, %rem3A_49, %ne3A_50 : i32
      %and3A_52 = arith.andi %ne3A_48, %ne3A_51 : i1
      %sub3A_53 = arith.constant 1 : i32
      %sub3A_54 = arith.subi %div3A_33, %sub3A_53 : i32
      %select_n3A_55 = arith.select %and3A_52, %sub3A_54, %div3A_33 : i32
      %sub3A_56 = arith.subi %select_n3A_55, %select_n3A : i32
      %mul3A_57 = arith.constant 8192 : i32
      %mul3A_58 = arith.muli %sub3A_56, %mul3A_57 : i32
      %broadcast_in_dim3A = vector.broadcast %mul3A_58 : i32 to vector<16xi32>
      %mul3A_59 = arith.constant 1024 : i32
      %mul3A_60 = arith.muli %sub3A_56, %mul3A_59 : i32
      %broadcast_in_dim3A_61 = vector.broadcast %mul3A_60 : i32 to vector<16xi32>
      %get3A = arith.index_cast %mul3A_30 : i32 to index
      %get3A_62 = tpu.vector_load %arg9[%get3A] {strides = array<i32>} : memref<13312xi32, #tpu.memory_space<vmem>>, vector<16xi32>,
      %get3A_63 = arith.index_cast %mul3A_30 : i32 to index
      %get3A_64 = tpu.vector_load %arg10[%get3A_63] {strides = array<i32>} : memref<13312xi32, #tpu.memory_space<vmem>>, vector<16xi32>,
      %or3A = arith.ori %get3A_62, %broadcast_in_dim3A : vector<16xi32>
      %or3A_65 = arith.ori %get3A_64, %broadcast_in_dim3A : vector<16xi32>
      %broadcast_in_dim3A_66 = arith.constant 0.000000e+00 : f32
      %broadcast_in_dim3A_67 = vector.broadcast %broadcast_in_dim3A_66 : f32 to vector<16xf32>
      %or3A_68 = arith.constant 0 : i32
      %or3A_69 = vector.broadcast %or3A_68 : i32 to vector<16xi32>
      %or3A_70 = arith.ori %or3A, %or3A_69 : vector<16xi32>
      %gather3A = tpu.vector_load_idx %arg7[%or3A_70] : memref<16384xi32, #tpu.memory_space<vmem>>[vector<16xi32>], vector<16xi32>,
      %or3A_71 = arith.constant 0 : i32
      %or3A_72 = vector.broadcast %or3A_71 : i32 to vector<16xi32>
      %or3A_73 = arith.ori %or3A_65, %or3A_72 : vector<16xi32>
      %gather3A_74 = tpu.vector_load_idx %arg7[%or3A_73] : memref<16384xi32, #tpu.memory_space<vmem>>[vector<16xi32>], vector<16xi32>,
      %bitcast3A = vector.bitcast %gather3A : vector<16xi32> to vector<32xbf16>
      %bitcast3A_75 = vector.bitcast %gather3A_74 : vector<16xi32> to vector<32xbf16>
      %mul3A_76 = arith.mulf %bitcast3A, %bitcast3A_75 : vector<32xbf16>
      %unpack3A = tpu.unpack_subelements %mul3A_76, 0 {pack_format = #tpu.pack_format<interleaved>} : vector<32xbf16> -> vector<16xf32>
      %unpack3A_77 = tpu.unpack_subelements %mul3A_76, 1 {pack_format = #tpu.pack_format<interleaved>} : vector<32xbf16> -> vector<16xf32>
      %add3A_78 = arith.addf %unpack3A, %unpack3A_77 : vector<16xf32>
      %add3A_79 = arith.addf %broadcast_in_dim3A_67, %add3A_78 : vector<16xf32>
      %or3A_80 = arith.constant 1024 : i32
      %or3A_81 = vector.broadcast %or3A_80 : i32 to vector<16xi32>
      %or3A_82 = arith.ori %or3A, %or3A_81 : vector<16xi32>
      %gather3A_83 = tpu.vector_load_idx %arg7[%or3A_82] : memref<16384xi32, #tpu.memory_space<vmem>>[vector<16xi32>], vector<16xi32>,
      %or3A_84 = arith.constant 1024 : i32
      %or3A_85 = vector.broadcast %or3A_84 : i32 to vector<16xi32>
      %or3A_86 = arith.ori %or3A_65, %or3A_85 : vector<16xi32>
      %gather3A_87 = tpu.vector_load_idx %arg7[%or3A_86] : memref<16384xi32, #tpu.memory_space<vmem>>[vector<16xi32>], vector<16xi32>,
      %bitcast3A_88 = vector.bitcast %gather3A_83 : vector<16xi32> to vector<32xbf16>
      %bitcast3A_89 = vector.bitcast %gather3A_87 : vector<16xi32> to vector<32xbf16>
      %mul3A_90 = arith.mulf %bitcast3A_88, %bitcast3A_89 : vector<32xbf16>
      %unpack3A_91 = tpu.unpack_subelements %mul3A_90, 0 {pack_format = #tpu.pack_format<interleaved>} : vector<32xbf16> -> vector<16xf32>
      %unpack3A_92 = tpu.unpack_subelements %mul3A_90, 1 {pack_format = #tpu.pack_format<interleaved>} : vector<32xbf16> -> vector<16xf32>
      %add3A_93 = arith.addf %unpack3A_91, %unpack3A_92 : vector<16xf32>
      %add3A_94 = arith.addf %add3A_79, %add3A_93 : vector<16xf32>
      %or3A_95 = arith.constant 2048 : i32
      %or3A_96 = vector.broadcast %or3A_95 : i32 to vector<16xi32>
      %or3A_97 = arith.ori %or3A, %or3A_96 : vector<16xi32>
      %gather3A_98 = tpu.vector_load_idx %arg7[%or3A_97] : memref<16384xi32, #tpu.memory_space<vmem>>[vector<16xi32>], vector<16xi32>,
      %or3A_99 = arith.constant 2048 : i32
      %or3A_100 = vector.broadcast %or3A_99 : i32 to vector<16xi32>
      %or3A_101 = arith.ori %or3A_65, %or3A_100 : vector<16xi32>
      %gather3A_102 = tpu.vector_load_idx %arg7[%or3A_101] : memref<16384xi32, #tpu.memory_space<vmem>>[vector<16xi32>], vector<16xi32>,
      %bitcast3A_103 = vector.bitcast %gather3A_98 : vector<16xi32> to vector<32xbf16>
      %bitcast3A_104 = vector.bitcast %gather3A_102 : vector<16xi32> to vector<32xbf16>
      %mul3A_105 = arith.mulf %bitcast3A_103, %bitcast3A_104 : vector<32xbf16>
      %unpack3A_106 = tpu.unpack_subelements %mul3A_105, 0 {pack_format = #tpu.pack_format<interleaved>} : vector<32xbf16> -> vector<16xf32>
      %unpack3A_107 = tpu.unpack_subelements %mul3A_105, 1 {pack_format = #tpu.pack_format<interleaved>} : vector<32xbf16> -> vector<16xf32>
      %add3A_108 = arith.addf %unpack3A_106, %unpack3A_107 : vector<16xf32>
      %add3A_109 = arith.addf %add3A_94, %add3A_108 : vector<16xf32>
      %or3A_110 = arith.constant 3072 : i32
      %or3A_111 = vector.broadcast %or3A_110 : i32 to vector<16xi32>
      %or3A_112 = arith.ori %or3A, %or3A_111 : vector<16xi32>
      %gather3A_113 = tpu.vector_load_idx %arg7[%or3A_112] : memref<16384xi32, #tpu.memory_space<vmem>>[vector<16xi32>], vector<16xi32>,
      %or3A_114 = arith.constant 3072 : i32
      %or3A_115 = vector.broadcast %or3A_114 : i32 to vector<16xi32>
      %or3A_116 = arith.ori %or3A_65, %or3A_115 : vector<16xi32>
      %gather3A_117 = tpu.vector_load_idx %arg7[%or3A_116] : memref<16384xi32, #tpu.memory_space<vmem>>[vector<16xi32>], vector<16xi32>,
      %bitcast3A_118 = vector.bitcast %gather3A_113 : vector<16xi32> to vector<32xbf16>
      %bitcast3A_119 = vector.bitcast %gather3A_117 : vector<16xi32> to vector<32xbf16>
      %mul3A_120 = arith.mulf %bitcast3A_118, %bitcast3A_119 : vector<32xbf16>
      %unpack3A_121 = tpu.unpack_subelements %mul3A_120, 0 {pack_format = #tpu.pack_format<interleaved>} : vector<32xbf16> -> vector<16xf32>
      %unpack3A_122 = tpu.unpack_subelements %mul3A_120, 1 {pack_format = #tpu.pack_format<interleaved>} : vector<32xbf16> -> vector<16xf32>
      %add3A_123 = arith.addf %unpack3A_121, %unpack3A_122 : vector<16xf32>
      %add3A_124 = arith.addf %add3A_109, %add3A_123 : vector<16xf32>
      %or3A_125 = arith.constant 4096 : i32
      %or3A_126 = vector.broadcast %or3A_125 : i32 to vector<16xi32>
      %or3A_127 = arith.ori %or3A, %or3A_126 : vector<16xi32>
      %gather3A_128 = tpu.vector_load_idx %arg7[%or3A_127] : memref<16384xi32, #tpu.memory_space<vmem>>[vector<16xi32>], vector<16xi32>,
      %or3A_129 = arith.constant 4096 : i32
      %or3A_130 = vector.broadcast %or3A_129 : i32 to vector<16xi32>
      %or3A_131 = arith.ori %or3A_65, %or3A_130 : vector<16xi32>
      %gather3A_132 = tpu.vector_load_idx %arg7[%or3A_131] : memref<16384xi32, #tpu.memory_space<vmem>>[vector<16xi32>], vector<16xi32>,
      %bitcast3A_133 = vector.bitcast %gather3A_128 : vector<16xi32> to vector<32xbf16>
      %bitcast3A_134 = vector.bitcast %gather3A_132 : vector<16xi32> to vector<32xbf16>
      %mul3A_135 = arith.mulf %bitcast3A_133, %bitcast3A_134 : vector<32xbf16>
      %unpack3A_136 = tpu.unpack_subelements %mul3A_135, 0 {pack_format = #tpu.pack_format<interleaved>} : vector<32xbf16> -> vector<16xf32>
      %unpack3A_137 = tpu.unpack_subelements %mul3A_135, 1 {pack_format = #tpu.pack_format<interleaved>} : vector<32xbf16> -> vector<16xf32>
      %add3A_138 = arith.addf %unpack3A_136, %unpack3A_137 : vector<16xf32>
      %add3A_139 = arith.addf %add3A_124, %add3A_138 : vector<16xf32>
      %or3A_140 = arith.constant 5120 : i32
      %or3A_141 = vector.broadcast %or3A_140 : i32 to vector<16xi32>
      %or3A_142 = arith.ori %or3A, %or3A_141 : vector<16xi32>
      %gather3A_143 = tpu.vector_load_idx %arg7[%or3A_142] : memref<16384xi32, #tpu.memory_space<vmem>>[vector<16xi32>], vector<16xi32>,
      %or3A_144 = arith.constant 5120 : i32
      %or3A_145 = vector.broadcast %or3A_144 : i32 to vector<16xi32>
      %or3A_146 = arith.ori %or3A_65, %or3A_145 : vector<16xi32>
      %gather3A_147 = tpu.vector_load_idx %arg7[%or3A_146] : memref<16384xi32, #tpu.memory_space<vmem>>[vector<16xi32>], vector<16xi32>,
      %bitcast3A_148 = vector.bitcast %gather3A_143 : vector<16xi32> to vector<32xbf16>
      %bitcast3A_149 = vector.bitcast %gather3A_147 : vector<16xi32> to vector<32xbf16>
      %mul3A_150 = arith.mulf %bitcast3A_148, %bitcast3A_149 : vector<32xbf16>
      %unpack3A_151 = tpu.unpack_subelements %mul3A_150, 0 {pack_format = #tpu.pack_format<interleaved>} : vector<32xbf16> -> vector<16xf32>
      %unpack3A_152 = tpu.unpack_subelements %mul3A_150, 1 {pack_format = #tpu.pack_format<interleaved>} : vector<32xbf16> -> vector<16xf32>
      %add3A_153 = arith.addf %unpack3A_151, %unpack3A_152 : vector<16xf32>
      %add3A_154 = arith.addf %add3A_139, %add3A_153 : vector<16xf32>
      %or3A_155 = arith.constant 6144 : i32
      %or3A_156 = vector.broadcast %or3A_155 : i32 to vector<16xi32>
      %or3A_157 = arith.ori %or3A, %or3A_156 : vector<16xi32>
      %gather3A_158 = tpu.vector_load_idx %arg7[%or3A_157] : memref<16384xi32, #tpu.memory_space<vmem>>[vector<16xi32>], vector<16xi32>,
      %or3A_159 = arith.constant 6144 : i32
      %or3A_160 = vector.broadcast %or3A_159 : i32 to vector<16xi32>
      %or3A_161 = arith.ori %or3A_65, %or3A_160 : vector<16xi32>
      %gather3A_162 = tpu.vector_load_idx %arg7[%or3A_161] : memref<16384xi32, #tpu.memory_space<vmem>>[vector<16xi32>], vector<16xi32>,
      %bitcast3A_163 = vector.bitcast %gather3A_158 : vector<16xi32> to vector<32xbf16>
      %bitcast3A_164 = vector.bitcast %gather3A_162 : vector<16xi32> to vector<32xbf16>
      %mul3A_165 = arith.mulf %bitcast3A_163, %bitcast3A_164 : vector<32xbf16>
      %unpack3A_166 = tpu.unpack_subelements %mul3A_165, 0 {pack_format = #tpu.pack_format<interleaved>} : vector<32xbf16> -> vector<16xf32>
      %unpack3A_167 = tpu.unpack_subelements %mul3A_165, 1 {pack_format = #tpu.pack_format<interleaved>} : vector<32xbf16> -> vector<16xf32>
      %add3A_168 = arith.addf %unpack3A_166, %unpack3A_167 : vector<16xf32>
      %add3A_169 = arith.addf %add3A_154, %add3A_168 : vector<16xf32>
      %or3A_170 = arith.constant 7168 : i32
      %or3A_171 = vector.broadcast %or3A_170 : i32 to vector<16xi32>
      %or3A_172 = arith.ori %or3A, %or3A_171 : vector<16xi32>
      %gather3A_173 = tpu.vector_load_idx %arg7[%or3A_172] : memref<16384xi32, #tpu.memory_space<vmem>>[vector<16xi32>], vector<16xi32>,
      %or3A_174 = arith.constant 7168 : i32
      %or3A_175 = vector.broadcast %or3A_174 : i32 to vector<16xi32>
      %or3A_176 = arith.ori %or3A_65, %or3A_175 : vector<16xi32>
      %gather3A_177 = tpu.vector_load_idx %arg7[%or3A_176] : memref<16384xi32, #tpu.memory_space<vmem>>[vector<16xi32>], vector<16xi32>,
      %bitcast3A_178 = vector.bitcast %gather3A_173 : vector<16xi32> to vector<32xbf16>
      %bitcast3A_179 = vector.bitcast %gather3A_177 : vector<16xi32> to vector<32xbf16>
      %mul3A_180 = arith.mulf %bitcast3A_178, %bitcast3A_179 : vector<32xbf16>
      %unpack3A_181 = tpu.unpack_subelements %mul3A_180, 0 {pack_format = #tpu.pack_format<interleaved>} : vector<32xbf16> -> vector<16xf32>
      %unpack3A_182 = tpu.unpack_subelements %mul3A_180, 1 {pack_format = #tpu.pack_format<interleaved>} : vector<32xbf16> -> vector<16xf32>
      %add3A_183 = arith.addf %unpack3A_181, %unpack3A_182 : vector<16xf32>
      %add3A_184 = arith.addf %add3A_169, %add3A_183 : vector<16xf32>
      %or3A_185 = arith.ori %get3A_62, %broadcast_in_dim3A_61 : vector<16xi32>
      %gather3A_186 = tpu.vector_load_idx %arg8[%or3A_185] : memref<2048xf32, #tpu.memory_space<vmem>>[vector<16xi32>], vector<16xf32>,
      %eq3A = arith.cmpi eq, %get3A_62, %get3A_64 : vector<16xi32>
      %mul3A_187 = arith.mulf %gather3A_186, %gather3A_186 : vector<16xf32>
      %broadcast_in_dim3A_188 = arith.constant 0.000000e+00 : f32
      %broadcast_in_dim3A_189 = vector.broadcast %broadcast_in_dim3A_188 : f32 to vector<16xf32>
      %select_n3A_190 = arith.select %eq3A, %mul3A_187, %broadcast_in_dim3A_189 : vector<16xi1>, vector<16xf32>
      %add3A_191 = arith.addf %add3A_184, %select_n3A_190 : vector<16xf32>
      %swap3A = arith.index_cast %mul3A_30 : i32 to index
      %swap3A_192 = tpu.vector_load %arg11[%swap3A] {strides = array<i32>} : memref<13312xf32, #tpu.memory_space<vmem>>, vector<16xf32>,
      tpu.vector_store %arg11[%swap3A], %add3A_191 {strides = array<i32>} : memref<13312xf32, #tpu.memory_space<vmem>>, vector<16xf32>,
    }
    %scan3A_27 = arith.constant 832 : i32
    "tpu.region"() ({
      %run_scoped3A = tpu.sem_alloc : memref<!tpu.dma_semaphore, #tpu.memory_space<semaphore_mem>>
      %dma_start3A = tpu.memref_slice %arg6[%mul3A_2] : memref<425984xf32, #tpu.memory_space<hbm>> -> memref<13312xf32, #tpu.memory_space<hbm>>
      %dma_start3A_28 = tpu.memref_slice %arg6[%mul3A_2] : memref<425984xf32, #tpu.memory_space<hbm>> -> memref<13312xf32, #tpu.memory_space<hbm>>
      tpu.enqueue_dma source(%arg11 : memref<13312xf32, #tpu.memory_space<vmem>>) target(%dma_start3A_28 : memref<13312xf32, #tpu.memory_space<hbm>>) target_semaphore(%run_scoped3A : memref<!tpu.dma_semaphore, #tpu.memory_space<semaphore_mem>>)
      %dma_wait3A = tpu.memref_slice %arg6[%mul3A_2] : memref<425984xf32, #tpu.memory_space<hbm>> -> memref<13312xf32, #tpu.memory_space<hbm>>
      %dma_wait3A_29 = tpu.memref_slice %arg6[%mul3A_2] : memref<425984xf32, #tpu.memory_space<hbm>> -> memref<13312xf32, #tpu.memory_space<hbm>>
      tpu.wait_dma2 semaphore(%run_scoped3A : memref<!tpu.dma_semaphore, #tpu.memory_space<semaphore_mem>>) src(%arg11 : memref<13312xf32, #tpu.memory_space<vmem>>) dst(%dma_wait3A_29 : memref<13312xf32, #tpu.memory_space<hbm>>)
      tpu.yield
    }) : () -> ()
    return
  }
}

module attributes {stable_mosaic.version = 14 : i64} {
  func.func @body(%arg0: i32, %arg1: memref<13x2048xf32, #tpu.memory_space<vmem>>, %arg2: memref<13x2048xf32, #tpu.memory_space<vmem>>, %arg3: memref<13x1xf32, #tpu.memory_space<vmem>>, %arg4: memref<13x1xf32, #tpu.memory_space<vmem>>, %arg5: memref<2048xf32, #tpu.memory_space<vmem>>) attributes {dimension_semantics = [#tpu.dimension_semantics<arbitrary>], iteration_bounds = array<i64: 8>, scalar_prefetch = 0 : i64, scratch_operands = 0 : i64, tpu.core_type = #tpu.core_type<tc>, window_params = [{transform_indices = @transform_0, window_bounds = array<i64: 13, 2048>}, {transform_indices = @transform_1, window_bounds = array<i64: 13, 2048>}, {pipeline_mode = #tpu.pipeline_mode<synchronous>, transform_indices = @transform_2, window_bounds = array<i64: 13, 1>}, {pipeline_mode = #tpu.pipeline_mode<synchronous>, transform_indices = @transform_3, window_bounds = array<i64: 13, 1>}, {transform_indices = @transform_4, window_bounds = array<i64: 2048>}]} {
    %get3A = arith.constant 0 : index
    %get3A_0 = arith.constant 0 : index
    %get3A_1 = vector.load %arg1[%get3A, %get3A_0] : memref<13x2048xf32, #tpu.memory_space<vmem>>, vector<13x2048xf32>
    %get3A_2 = arith.constant 0 : index
    %get3A_3 = arith.constant 0 : index
    %get3A_4 = vector.load %arg2[%get3A_2, %get3A_3] : memref<13x2048xf32, #tpu.memory_space<vmem>>, vector<13x2048xf32>
    %sub3A = arith.subf %get3A_1, %get3A_4 : vector<13x2048xf32>
    %get3A_5 = arith.constant 0 : index
    %get3A_6 = arith.constant 0 : index
    %get3A_7 = vector.load %arg3[%get3A_5, %get3A_6] : memref<13x1xf32, #tpu.memory_space<vmem>>, vector<13x1xf32>
    %mul3A = arith.constant 2.000000e+00 : f32
    %mul3A_8 = vector.broadcast %mul3A : f32 to vector<13x1xf32>
    %mul3A_9 = arith.mulf %mul3A_8, %get3A_7 : vector<13x1xf32>
    %mul3A_10 = arith.mulf %mul3A_9, %get3A_7 : vector<13x1xf32>
    %div3A = arith.constant 1.000000e+00 : f32
    %div3A_11 = vector.broadcast %div3A : f32 to vector<13x1xf32>
    %div3A_12 = arith.divf %div3A_11, %mul3A_10 : vector<13x1xf32>
    %get3A_13 = arith.constant 0 : index
    %get3A_14 = arith.constant 0 : index
    %get3A_15 = vector.load %arg4[%get3A_13, %get3A_14] : memref<13x1xf32, #tpu.memory_space<vmem>>, vector<13x1xf32>
    %get3A_16 = arith.constant 0 : index
    %get3A_17 = arith.constant 0 : index
    %get3A_18 = vector.load %arg4[%get3A_16, %get3A_17] : memref<13x1xf32, #tpu.memory_space<vmem>>, vector<13x1xf32>
    %mul3A_19 = arith.mulf %get3A_15, %get3A_18 : vector<13x1xf32>
    %mul3A_20 = arith.mulf %sub3A, %sub3A : vector<13x2048xf32>
    %neg3A = arith.constant 0.000000e+00 : f32
    %neg3A_21 = vector.broadcast %neg3A : f32 to vector<13x2048xf32>
    %neg3A_22 = arith.subf %neg3A_21, %mul3A_20 : vector<13x2048xf32>
    %mul3A_23 = vector.broadcast %div3A_12 : vector<13x1xf32> to vector<13x2048xf32>
    %mul3A_24 = arith.mulf %neg3A_22, %mul3A_23 : vector<13x2048xf32>
    %exp3A = math.exp %mul3A_24 : vector<13x2048xf32>
    %mul3A_25 = vector.broadcast %mul3A_19 : vector<13x1xf32> to vector<13x2048xf32>
    %mul3A_26 = arith.mulf %mul3A_25, %exp3A : vector<13x2048xf32>
    %reduce_sum3A = arith.constant dense<0.000000e+00> : vector<2048xf32>
    %reduce_sum3A_27 = vector.multi_reduction <add>, %mul3A_26, %reduce_sum3A [0] : vector<13x2048xf32> to vector<2048xf32>
    %swap3A = arith.constant 0 : index
    %swap3A_28 = vector.load %arg5[%swap3A] : memref<2048xf32, #tpu.memory_space<vmem>>, vector<2048xf32>
    tpu.vector_store %arg5[%swap3A], %reduce_sum3A_27 {strides = array<i32>} : memref<2048xf32, #tpu.memory_space<vmem>>, vector<2048xf32>,
    return
  }
  func.func @transform_0(%arg0: i32) -> (i32, i32) {
    %c0_i32 = arith.constant 0 : i32
    %c0_i32_0 = arith.constant 0 : i32
    return %c0_i32, %arg0 : i32, i32
  }
  func.func @transform_1(%arg0: i32) -> (i32, i32) {
    %c0_i32 = arith.constant 0 : i32
    %c0_i32_0 = arith.constant 0 : i32
    return %c0_i32, %arg0 : i32, i32
  }
  func.func @transform_2(%arg0: i32) -> (i32, i32) {
    %c0_i32 = arith.constant 0 : i32
    %c0_i32_0 = arith.constant 0 : i32
    %c0_i32_1 = arith.constant 0 : i32
    return %c0_i32, %c0_i32_0 : i32, i32
  }
  func.func @transform_3(%arg0: i32) -> (i32, i32) {
    %c0_i32 = arith.constant 0 : i32
    %c0_i32_0 = arith.constant 0 : i32
    %c0_i32_1 = arith.constant 0 : i32
    return %c0_i32, %c0_i32_0 : i32, i32
  }
  func.func @transform_4(%arg0: i32) -> i32 {
    %c0_i32 = arith.constant 0 : i32
    return %arg0 : i32
  }
}

module attributes {stable_mosaic.version = 14 : i64} {
  func.func @body(%arg0: i32, %arg1: memref<8192xf32, #tpu.memory_space<vmem>>, %arg2: memref<8192xf32, #tpu.memory_space<vmem>>, %arg3: memref<8192xf32, #tpu.memory_space<vmem>>, %arg4: memref<8192xf32, #tpu.memory_space<vmem>>, %arg5: memref<8192xf32, #tpu.memory_space<vmem>>, %arg6: memref<8192xf32, #tpu.memory_space<vmem>>, %arg7: memref<8192xf32, #tpu.memory_space<vmem>>, %arg8: memref<8192xf32, #tpu.memory_space<vmem>>, %arg9: memref<8192xf32, #tpu.memory_space<vmem>>, %arg10: memref<8192xf32, #tpu.memory_space<vmem>>, %arg11: memref<8192xf32, #tpu.memory_space<vmem>>, %arg12: memref<8192xf32, #tpu.memory_space<vmem>>, %arg13: memref<8192xf32, #tpu.memory_space<vmem>>, %arg14: memref<8192xf32, #tpu.memory_space<vmem>>, %arg15: memref<8192xf32, #tpu.memory_space<vmem>>, %arg16: memref<8192xf32, #tpu.memory_space<vmem>>, %arg17: memref<8192xf32, #tpu.memory_space<vmem>>, %arg18: memref<8192xf32, #tpu.memory_space<vmem>>, %arg19: memref<8192xf32, #tpu.memory_space<vmem>>, %arg20: memref<8192xf32, #tpu.memory_space<vmem>>, %arg21: memref<8192xf32, #tpu.memory_space<vmem>>, %arg22: memref<8192xf32, #tpu.memory_space<vmem>>, %arg23: memref<8192xf32, #tpu.memory_space<vmem>>, %arg24: memref<8192xf32, #tpu.memory_space<vmem>>, %arg25: memref<8192xf32, #tpu.memory_space<vmem>>, %arg26: memref<8192xf32, #tpu.memory_space<vmem>>, %arg27: memref<8192xf32, #tpu.memory_space<vmem>>, %arg28: memref<8192xf32, #tpu.memory_space<vmem>>) attributes {dimension_semantics = [#tpu.dimension_semantics<arbitrary>], iteration_bounds = array<i64: 2>, scalar_prefetch = 0 : i64, scratch_operands = 0 : i64, tpu.core_type = #tpu.core_type<tc>, window_params = [{transform_indices = @transform_0, window_bounds = array<i64: 8192>}, {transform_indices = @transform_1, window_bounds = array<i64: 8192>}, {transform_indices = @transform_2, window_bounds = array<i64: 8192>}, {transform_indices = @transform_3, window_bounds = array<i64: 8192>}, {transform_indices = @transform_4, window_bounds = array<i64: 8192>}, {transform_indices = @transform_5, window_bounds = array<i64: 8192>}, {transform_indices = @transform_6, window_bounds = array<i64: 8192>}, {transform_indices = @transform_7, window_bounds = array<i64: 8192>}, {transform_indices = @transform_8, window_bounds = array<i64: 8192>}, {transform_indices = @transform_9, window_bounds = array<i64: 8192>}, {transform_indices = @transform_10, window_bounds = array<i64: 8192>}, {transform_indices = @transform_11, window_bounds = array<i64: 8192>}, {transform_indices = @transform_12, window_bounds = array<i64: 8192>}, {transform_indices = @transform_13, window_bounds = array<i64: 8192>}, {transform_indices = @transform_14, window_bounds = array<i64: 8192>}, {transform_indices = @transform_15, window_bounds = array<i64: 8192>}, {transform_indices = @transform_16, window_bounds = array<i64: 8192>}, {transform_indices = @transform_17, window_bounds = array<i64: 8192>}, {transform_indices = @transform_18, window_bounds = array<i64: 8192>}, {transform_indices = @transform_19, window_bounds = array<i64: 8192>}, {transform_indices = @transform_20, window_bounds = array<i64: 8192>}, {transform_indices = @transform_21, window_bounds = array<i64: 8192>}, {transform_indices = @transform_22, window_bounds = array<i64: 8192>}, {transform_indices = @transform_23, window_bounds = array<i64: 8192>}, {transform_indices = @transform_24, window_bounds = array<i64: 8192>}, {transform_indices = @transform_25, window_bounds = array<i64: 8192>}, {transform_indices = @transform_26, window_bounds = array<i64: 8192>}, {transform_indices = @transform_27, window_bounds = array<i64: 8192>}]} {
    %get3A = arith.constant 0 : index
    %get3A_0 = vector.load %arg1[%get3A] : memref<8192xf32, #tpu.memory_space<vmem>>, vector<8192xf32>
    %get3A_1 = arith.constant 0 : index
    %get3A_2 = vector.load %arg2[%get3A_1] : memref<8192xf32, #tpu.memory_space<vmem>>, vector<8192xf32>
    %add3A = arith.addf %get3A_0, %get3A_2 : vector<8192xf32>
    %get3A_3 = arith.constant 0 : index
    %get3A_4 = vector.load %arg3[%get3A_3] : memref<8192xf32, #tpu.memory_space<vmem>>, vector<8192xf32>
    %add3A_5 = arith.addf %add3A, %get3A_4 : vector<8192xf32>
    %get3A_6 = arith.constant 0 : index
    %get3A_7 = vector.load %arg4[%get3A_6] : memref<8192xf32, #tpu.memory_space<vmem>>, vector<8192xf32>
    %add3A_8 = arith.addf %add3A_5, %get3A_7 : vector<8192xf32>
    %get3A_9 = arith.constant 0 : index
    %get3A_10 = vector.load %arg5[%get3A_9] : memref<8192xf32, #tpu.memory_space<vmem>>, vector<8192xf32>
    %add3A_11 = arith.addf %add3A_8, %get3A_10 : vector<8192xf32>
    %get3A_12 = arith.constant 0 : index
    %get3A_13 = vector.load %arg6[%get3A_12] : memref<8192xf32, #tpu.memory_space<vmem>>, vector<8192xf32>
    %add3A_14 = arith.addf %add3A_11, %get3A_13 : vector<8192xf32>
    %get3A_15 = arith.constant 0 : index
    %get3A_16 = vector.load %arg7[%get3A_15] : memref<8192xf32, #tpu.memory_space<vmem>>, vector<8192xf32>
    %add3A_17 = arith.addf %add3A_14, %get3A_16 : vector<8192xf32>
    %get3A_18 = arith.constant 0 : index
    %get3A_19 = vector.load %arg8[%get3A_18] : memref<8192xf32, #tpu.memory_space<vmem>>, vector<8192xf32>
    %add3A_20 = arith.addf %add3A_17, %get3A_19 : vector<8192xf32>
    %get3A_21 = arith.constant 0 : index
    %get3A_22 = vector.load %arg9[%get3A_21] : memref<8192xf32, #tpu.memory_space<vmem>>, vector<8192xf32>
    %add3A_23 = arith.addf %add3A_20, %get3A_22 : vector<8192xf32>
    %get3A_24 = arith.constant 0 : index
    %get3A_25 = vector.load %arg10[%get3A_24] : memref<8192xf32, #tpu.memory_space<vmem>>, vector<8192xf32>
    %add3A_26 = arith.addf %add3A_23, %get3A_25 : vector<8192xf32>
    %get3A_27 = arith.constant 0 : index
    %get3A_28 = vector.load %arg11[%get3A_27] : memref<8192xf32, #tpu.memory_space<vmem>>, vector<8192xf32>
    %add3A_29 = arith.addf %add3A_26, %get3A_28 : vector<8192xf32>
    %get3A_30 = arith.constant 0 : index
    %get3A_31 = vector.load %arg12[%get3A_30] : memref<8192xf32, #tpu.memory_space<vmem>>, vector<8192xf32>
    %add3A_32 = arith.addf %add3A_29, %get3A_31 : vector<8192xf32>
    %get3A_33 = arith.constant 0 : index
    %get3A_34 = vector.load %arg13[%get3A_33] : memref<8192xf32, #tpu.memory_space<vmem>>, vector<8192xf32>
    %add3A_35 = arith.addf %add3A_32, %get3A_34 : vector<8192xf32>
    %get3A_36 = arith.constant 0 : index
    %get3A_37 = vector.load %arg14[%get3A_36] : memref<8192xf32, #tpu.memory_space<vmem>>, vector<8192xf32>
    %add3A_38 = arith.addf %add3A_35, %get3A_37 : vector<8192xf32>
    %get3A_39 = arith.constant 0 : index
    %get3A_40 = vector.load %arg15[%get3A_39] : memref<8192xf32, #tpu.memory_space<vmem>>, vector<8192xf32>
    %add3A_41 = arith.addf %add3A_38, %get3A_40 : vector<8192xf32>
    %get3A_42 = arith.constant 0 : index
    %get3A_43 = vector.load %arg16[%get3A_42] : memref<8192xf32, #tpu.memory_space<vmem>>, vector<8192xf32>
    %add3A_44 = arith.addf %add3A_41, %get3A_43 : vector<8192xf32>
    %get3A_45 = arith.constant 0 : index
    %get3A_46 = vector.load %arg17[%get3A_45] : memref<8192xf32, #tpu.memory_space<vmem>>, vector<8192xf32>
    %add3A_47 = arith.addf %add3A_44, %get3A_46 : vector<8192xf32>
    %get3A_48 = arith.constant 0 : index
    %get3A_49 = vector.load %arg18[%get3A_48] : memref<8192xf32, #tpu.memory_space<vmem>>, vector<8192xf32>
    %add3A_50 = arith.addf %add3A_47, %get3A_49 : vector<8192xf32>
    %get3A_51 = arith.constant 0 : index
    %get3A_52 = vector.load %arg19[%get3A_51] : memref<8192xf32, #tpu.memory_space<vmem>>, vector<8192xf32>
    %add3A_53 = arith.addf %add3A_50, %get3A_52 : vector<8192xf32>
    %get3A_54 = arith.constant 0 : index
    %get3A_55 = vector.load %arg20[%get3A_54] : memref<8192xf32, #tpu.memory_space<vmem>>, vector<8192xf32>
    %add3A_56 = arith.addf %add3A_53, %get3A_55 : vector<8192xf32>
    %get3A_57 = arith.constant 0 : index
    %get3A_58 = vector.load %arg21[%get3A_57] : memref<8192xf32, #tpu.memory_space<vmem>>, vector<8192xf32>
    %add3A_59 = arith.addf %add3A_56, %get3A_58 : vector<8192xf32>
    %get3A_60 = arith.constant 0 : index
    %get3A_61 = vector.load %arg22[%get3A_60] : memref<8192xf32, #tpu.memory_space<vmem>>, vector<8192xf32>
    %add3A_62 = arith.addf %add3A_59, %get3A_61 : vector<8192xf32>
    %get3A_63 = arith.constant 0 : index
    %get3A_64 = vector.load %arg23[%get3A_63] : memref<8192xf32, #tpu.memory_space<vmem>>, vector<8192xf32>
    %add3A_65 = arith.addf %add3A_62, %get3A_64 : vector<8192xf32>
    %get3A_66 = arith.constant 0 : index
    %get3A_67 = vector.load %arg24[%get3A_66] : memref<8192xf32, #tpu.memory_space<vmem>>, vector<8192xf32>
    %add3A_68 = arith.addf %add3A_65, %get3A_67 : vector<8192xf32>
    %get3A_69 = arith.constant 0 : index
    %get3A_70 = vector.load %arg25[%get3A_69] : memref<8192xf32, #tpu.memory_space<vmem>>, vector<8192xf32>
    %add3A_71 = arith.addf %add3A_68, %get3A_70 : vector<8192xf32>
    %get3A_72 = arith.constant 0 : index
    %get3A_73 = vector.load %arg26[%get3A_72] : memref<8192xf32, #tpu.memory_space<vmem>>, vector<8192xf32>
    %add3A_74 = arith.addf %add3A_71, %get3A_73 : vector<8192xf32>
    %get3A_75 = arith.constant 0 : index
    %get3A_76 = vector.load %arg27[%get3A_75] : memref<8192xf32, #tpu.memory_space<vmem>>, vector<8192xf32>
    %add3A_77 = arith.addf %add3A_74, %get3A_76 : vector<8192xf32>
    %swap3A = arith.constant 0 : index
    %swap3A_78 = vector.load %arg28[%swap3A] : memref<8192xf32, #tpu.memory_space<vmem>>, vector<8192xf32>
    tpu.vector_store %arg28[%swap3A], %add3A_77 {strides = array<i32>} : memref<8192xf32, #tpu.memory_space<vmem>>, vector<8192xf32>,
    return
  }
  func.func @transform_0(%arg0: i32) -> i32 {
    %c0_i32 = arith.constant 0 : i32
    return %arg0 : i32
  }
  func.func @transform_1(%arg0: i32) -> i32 {
    %add3A = arith.constant 0 : i32
    %add3A_0 = arith.addi %add3A, %arg0 : i32
    %c0_i32 = arith.constant 0 : i32
    return %add3A_0 : i32
  }
  func.func @transform_2(%arg0: i32) -> i32 {
    %add3A = arith.constant 2 : i32
    %add3A_0 = arith.addi %add3A, %arg0 : i32
    %c0_i32 = arith.constant 0 : i32
    return %add3A_0 : i32
  }
  func.func @transform_3(%arg0: i32) -> i32 {
    %add3A = arith.constant 4 : i32
    %add3A_0 = arith.addi %add3A, %arg0 : i32
    %c0_i32 = arith.constant 0 : i32
    return %add3A_0 : i32
  }
  func.func @transform_4(%arg0: i32) -> i32 {
    %add3A = arith.constant 6 : i32
    %add3A_0 = arith.addi %add3A, %arg0 : i32
    %c0_i32 = arith.constant 0 : i32
    return %add3A_0 : i32
  }
  func.func @transform_5(%arg0: i32) -> i32 {
    %add3A = arith.constant 8 : i32
    %add3A_0 = arith.addi %add3A, %arg0 : i32
    %c0_i32 = arith.constant 0 : i32
    return %add3A_0 : i32
  }
  func.func @transform_6(%arg0: i32) -> i32 {
    %add3A = arith.constant 10 : i32
    %add3A_0 = arith.addi %add3A, %arg0 : i32
    %c0_i32 = arith.constant 0 : i32
    return %add3A_0 : i32
  }
  func.func @transform_7(%arg0: i32) -> i32 {
    %add3A = arith.constant 12 : i32
    %add3A_0 = arith.addi %add3A, %arg0 : i32
    %c0_i32 = arith.constant 0 : i32
    return %add3A_0 : i32
  }
  func.func @transform_8(%arg0: i32) -> i32 {
    %add3A = arith.constant 14 : i32
    %add3A_0 = arith.addi %add3A, %arg0 : i32
    %c0_i32 = arith.constant 0 : i32
    return %add3A_0 : i32
  }
  func.func @transform_9(%arg0: i32) -> i32 {
    %add3A = arith.constant 16 : i32
    %add3A_0 = arith.addi %add3A, %arg0 : i32
    %c0_i32 = arith.constant 0 : i32
    return %add3A_0 : i32
  }
  func.func @transform_10(%arg0: i32) -> i32 {
    %add3A = arith.constant 18 : i32
    %add3A_0 = arith.addi %add3A, %arg0 : i32
    %c0_i32 = arith.constant 0 : i32
    return %add3A_0 : i32
  }
  func.func @transform_11(%arg0: i32) -> i32 {
    %add3A = arith.constant 20 : i32
    %add3A_0 = arith.addi %add3A, %arg0 : i32
    %c0_i32 = arith.constant 0 : i32
    return %add3A_0 : i32
  }
  func.func @transform_12(%arg0: i32) -> i32 {
    %add3A = arith.constant 22 : i32
    %add3A_0 = arith.addi %add3A, %arg0 : i32
    %c0_i32 = arith.constant 0 : i32
    return %add3A_0 : i32
  }
  func.func @transform_13(%arg0: i32) -> i32 {
    %add3A = arith.constant 24 : i32
    %add3A_0 = arith.addi %add3A, %arg0 : i32
    %c0_i32 = arith.constant 0 : i32
    return %add3A_0 : i32
  }
  func.func @transform_14(%arg0: i32) -> i32 {
    %add3A = arith.constant 26 : i32
    %add3A_0 = arith.addi %add3A, %arg0 : i32
    %c0_i32 = arith.constant 0 : i32
    return %add3A_0 : i32
  }
  func.func @transform_15(%arg0: i32) -> i32 {
    %add3A = arith.constant 28 : i32
    %add3A_0 = arith.addi %add3A, %arg0 : i32
    %c0_i32 = arith.constant 0 : i32
    return %add3A_0 : i32
  }
  func.func @transform_16(%arg0: i32) -> i32 {
    %add3A = arith.constant 30 : i32
    %add3A_0 = arith.addi %add3A, %arg0 : i32
    %c0_i32 = arith.constant 0 : i32
    return %add3A_0 : i32
  }
  func.func @transform_17(%arg0: i32) -> i32 {
    %add3A = arith.constant 32 : i32
    %add3A_0 = arith.addi %add3A, %arg0 : i32
    %c0_i32 = arith.constant 0 : i32
    return %add3A_0 : i32
  }
  func.func @transform_18(%arg0: i32) -> i32 {
    %add3A = arith.constant 34 : i32
    %add3A_0 = arith.addi %add3A, %arg0 : i32
    %c0_i32 = arith.constant 0 : i32
    return %add3A_0 : i32
  }
  func.func @transform_19(%arg0: i32) -> i32 {
    %add3A = arith.constant 36 : i32
    %add3A_0 = arith.addi %add3A, %arg0 : i32
    %c0_i32 = arith.constant 0 : i32
    return %add3A_0 : i32
  }
  func.func @transform_20(%arg0: i32) -> i32 {
    %add3A = arith.constant 38 : i32
    %add3A_0 = arith.addi %add3A, %arg0 : i32
    %c0_i32 = arith.constant 0 : i32
    return %add3A_0 : i32
  }
  func.func @transform_21(%arg0: i32) -> i32 {
    %add3A = arith.constant 40 : i32
    %add3A_0 = arith.addi %add3A, %arg0 : i32
    %c0_i32 = arith.constant 0 : i32
    return %add3A_0 : i32
  }
  func.func @transform_22(%arg0: i32) -> i32 {
    %add3A = arith.constant 42 : i32
    %add3A_0 = arith.addi %add3A, %arg0 : i32
    %c0_i32 = arith.constant 0 : i32
    return %add3A_0 : i32
  }
  func.func @transform_23(%arg0: i32) -> i32 {
    %add3A = arith.constant 44 : i32
    %add3A_0 = arith.addi %add3A, %arg0 : i32
    %c0_i32 = arith.constant 0 : i32
    return %add3A_0 : i32
  }
  func.func @transform_24(%arg0: i32) -> i32 {
    %add3A = arith.constant 46 : i32
    %add3A_0 = arith.addi %add3A, %arg0 : i32
    %c0_i32 = arith.constant 0 : i32
    return %add3A_0 : i32
  }
  func.func @transform_25(%arg0: i32) -> i32 {
    %add3A = arith.constant 48 : i32
    %add3A_0 = arith.addi %add3A, %arg0 : i32
    %c0_i32 = arith.constant 0 : i32
    return %add3A_0 : i32
  }
  func.func @transform_26(%arg0: i32) -> i32 {
    %add3A = arith.constant 50 : i32
    %add3A_0 = arith.addi %add3A, %arg0 : i32
    %c0_i32 = arith.constant 0 : i32
    return %add3A_0 : i32
  }
  func.func @transform_27(%arg0: i32) -> i32 {
    %c0_i32 = arith.constant 0 : i32
    return %arg0 : i32
  }
}

</mosaic_0001>

<sc_bundles>
// kernel: kernel.5.cloned.1.call-start
scs
__scs_entry_jumppad:
0x0: {  	(pc) =	sbr.rel $0x88, $3  }
0x1: {  	(tag) =	ssettag $0x0;
	lr =	simm.s32 $0x1  }
0x2: {  	[smem:$0x3F99] =	sst lr;
	_ =	strace $0xD0000000  }
0x3: {  	_ = 	snop  }
0x4: {  	_ = 	snop  }
0x5: {  	_ = 	snop  }
0x6: {  	_ = 	snop  }
0x7: {  	_ = 	snop  }
__scs_overlays_trampoline_lowered:
0x8: {  	[smem:$0x3FA8] =	sst s0  }
0x9: {  	[smem:$0x3FA9] =	sst s1  }
0xa: {  	[smem:$0x3FAA] =	sst s2  }
0xb: {  	[smem:$0x3FAB] =	sst s3  }
0xc: {  	[smem:$0x3FAC] =	sst s4  }
0xd: {  	[smem:$0x3FAD] =	sst s5  }
0xe: {  	[smem:$0x3FAE] =	sst s6  }
0xf: {  	[smem:$0x3FAF] =	sst s7  }
0x10: {  	[smem:$0x3FB0] =	sst s8  }
0x11: {  	[smem:$0x3FB1] =	sst s9;
	s0 =	simm.s32 @!p0 $0x0  }
0x12: {  	s1 =	sld [smem:$0x3F97];
	s0 =	simm.s32 @p0 $0x1  }
0x13: {  	[smem:$0x3FB2] =	sst s0;
	s0 =	simm.s32 @!p1 $0x0  }
0x14: {  	s2 =	sld [smem:$0x3F96];
	s0 =	simm.s32 @p1 $0x1  }
0x15: {  	[smem:$0x3FB3] =	sst s0;
	s0 =	simm.s32 @!p2 $0x0  }
0x16: {  	s3 =	sld [smem:$0x3FDB];
	s0 =	simm.s32 @p2 $0x1  }
0x17: {  	s4 =	simm.s32 $0x1BF5;
	[smem:$0x3FB5] =	sst s0  }
0x18: {  	s0 =	sld [smem:$0x3F98];
	_ =	swait.ge [sflag:s4], $0x0  }
0x19: {  	s7 =	sld [smem:$0x3F99]  }
0x1a: {  	s8 =	sadd.s32 $0xFFFFE003, lr  }
0x1b: {  	s9 =	sadd.s32 $0xFFFFFEF7, lr;
	s5 =	simm.s32 $0xFFFFFFFF;
	p2 =	slt.u32 s8, $0xFFFFF086  }
0x1c: {  	p1 =	slt.u32 s9, $0xF7A;
	s5 =	simm.s32 @!p2 $0x0  }
0x1d: {  	s5 =	simm.s32 @p1 $0x1;
	p0 =	seq.s32 s7, s2  }
0x1e: {  	s7 =	smul.u32 @!p0 $0xF7A, s2;
	p2 =	seq.s32 @!p0 s5, $0x0  }
0x1f: {  	s9 =	smul.u32 $0xF7A, s1;
	s8 =	simm.s32 @!p0 $0x1BF5;
	p2 =	por !p2, p0  }
0x20: {  	[sflag:s8] =	ssyncset.s32 @!p0 $0xFFFFF086;
	s6 =	sadd.s32 @!p0 s3, s7;
	s7 =	simm.s32 @!p0 $0x108  }
0x21: {  	s3 =	sadd.s32 s3, s9;
	s6 =	sadd.s32 @!p0 $0x88, s6;
	s7 =	simm.s32 @p2 $0x1082  }
0x22: {  	[simem:s7], [sflag:s8] =	dma.local @!p0 [hbm:s6], $0xF7A  }
0x23: {  	s9 =	sor.u32 $0xD0000000, s2;
	s6 =	simm.s32 $0x108;
	_ =	swait.ge @!p0 [sflag:s8], $0x0  }
0x24: {  	s3 =	sadd.s32 $0x88, s3;
	s6 =	simm.s32 @!p1 $0x1082;
	[sflag:s4] =	ssyncset.s32 $0xFFFFF086  }
0x25: {  	[simem:s6], [sflag:s4] =	dma.local [hbm:s3], $0xF7A  }
0x26: {  	[smem:$0x3F99] =	sst s1;
	(tag) =	ssettag s2;
	_ =	strace s9  }
0x27: {  	s1 =	sld [smem:$0x3FA9]  }
0x28: {  	s2 =	sld [smem:$0x3FAA]  }
0x29: {  	s4 =	sld [smem:$0x3FAC]  }
0x2a: {  	p0 =	seq.s32 s5, $0x0;
	s5 =	sld [smem:$0x3FAD]  }
0x2b: {  	s6 =	sld [smem:$0x3FAE]  }
0x2c: {  	s7 =	sld [smem:$0x3FAF]  }
0x2d: {  	s3 =	simm.s32 $0x108;
	s8 =	sld [smem:$0x3FB0]  }
0x2e: {  	s3 =	simm.s32 @!p0 $0x1082;
	s9 =	sld [smem:$0x3FB1]  }
0x2f: {  	lr =	sadd.s32 s0, s3;
	s0 =	sld [smem:$0x3FA8]  }
0x30: {  	s3 =	sld [smem:$0x3FAB]  }
0x31: {  	[smem:$0x3FB4] =	sst s10  }
0x32: {  	s10 =	sld [smem:$0x3FB2];
	_ =	sdelay $0x3  }
0x33: {  	p0 =	seq.s32 s10, $0x1;
	s10 =	sld [smem:$0x3FB4];
	_ =	sdelay $0x3  }
0x34: {  	[smem:$0x3FB4] =	sst s10  }
0x35: {  	s10 =	sld [smem:$0x3FB3];
	_ =	sdelay $0x3  }
0x36: {  	p1 =	seq.s32 s10, $0x1;
	s10 =	sld [smem:$0x3FB4];
	_ =	sdelay $0x3  }
0x37: {  	[smem:$0x3FB4] =	sst s10  }
0x38: {  	s10 =	sld [smem:$0x3FB5]  }
0x39: {  	_ = 	snop;
	(pc) =	sbr.ind lr, $3  }
0x3a: {  	_ = 	snop  }
0x3b: {  	_ = 	snop  }
0x3c: {  	p2 =	seq.s32 s10, $0x1;
	s10 =	sld [smem:$0x3FB4]  }
0x3d: {  	_ =	shalt  }
0x3e: {  	_ =	shalt  }
0x3f: {  	_ =	shalt  }
0x40: {  	_ =	shalt  }
0x41: {  	_ =	shalt  }
0x42: {  	_ =	shalt  }
0x43: {  	_ =	shalt  }
0x44: {  	_ =	shalt  }
0x45: {  	_ =	shalt  }
0x46: {  	_ =	shalt  }
0x47: {  	_ =	shalt  }
0x48: {  	_ =	shalt  }
0x49: {  	_ =	shalt  }
0x4a: {  	_ =	shalt  }
0x4b: {  	_ =	shalt  }
0x4c: {  	_ =	shalt  }
0x4d: {  	_ =	shalt  }
0x4e: {  	_ =	shalt  }
0x4f: {  	_ =	shalt  }
0x50: {  	_ =	shalt  }
0x51: {  	_ =	shalt  }
0x52: {  	_ =	shalt  }
0x53: {  	_ =	shalt  }
0x54: {  	_ =	shalt  }
0x55: {  	_ =	shalt  }
0x56: {  	_ =	shalt  }
0x57: {  	_ =	shalt  }
0x58: {  	_ =	shalt  }
0x59: {  	_ =	shalt  }
0x5a: {  	_ =	shalt  }
0x5b: {  	_ =	shalt  }
0x5c: {  	_ =	shalt  }
0x5d: {  	_ =	shalt  }
0x5e: {  	_ =	shalt  }
0x5f: {  	_ =	shalt  }
0x60: {  	_ =	shalt  }
0x61: {  	_ =	shalt  }
0x62: {  	_ =	shalt  }
0x63: {  	_ =	shalt  }
0x64: {  	_ =	shalt  }
0x65: {  	_ =	shalt  }
0x66: {  	_ =	shalt  }
0x67: {  	_ =	shalt  }
0x68: {  	_ =	shalt  }
0x69: {  	_ =	shalt  }
0x6a: {  	_ =	shalt  }
0x6b: {  	_ =	shalt  }
0x6c: {  	_ =	shalt  }
0x6d: {  	_ =	shalt  }
0x6e: {  	_ =	shalt  }
0x6f: {  	_ =	shalt  }
0x70: {  	_ =	shalt  }
0x71: {  	_ =	shalt  }
0x72: {  	_ =	shalt  }
0x73: {  	_ =	shalt  }
0x74: {  	_ =	shalt  }
0x75: {  	_ =	shalt  }
0x76: {  	_ =	shalt  }
0x77: {  	_ =	shalt  }
0x78: {  	_ =	shalt  }
0x79: {  	_ =	shalt  }
0x7a: {  	_ =	shalt  }
0x7b: {  	_ =	shalt  }
0x7c: {  	_ =	shalt  }
0x7d: {  	_ =	shalt  }
0x7e: {  	_ =	shalt  }
0x7f: {  	_ =	shalt  }
0x80: {  	_ =	shalt  }
0x81: {  	_ =	shalt  }
0x82: {  	_ =	shalt  }
0x83: {  	_ =	shalt  }
0x84: {  	_ =	shalt  }
0x85: {  	_ =	shalt  }
0x86: {  	_ =	shalt  }
0x87: {  	_ =	shalt  }
.Lfunc_end0:
.L_simem_size_0:
called_computation_lowered:
.L_overlay_start_0:
0x88: {  	s2 =	sld [smem:$0x3FD9]  }
0x89: {  	s3 =	sld [smem:$0x3FFE];
	_ =	sdelay $0x1  }
0x8a: {  	s1 =	srdreg.scid  }
0x8b: {  	s0 =	sand.u32 $0x1, s1  }
0x8c: {  	s16 =	sshll.u32 s0, $0xA;
	s2 =	sadd.s32 s3, s2  }
0x8d: {  	s2 =	sadd.s32 s2, s16  }
0x8e: {  	[smem:$0x3FC0] =	sst s2  }
0x8f: {  	_ = 	snop  }
0x90: {  	(tm) =	ssettm $0x1  }
0x91: {  	s17 =	sld [smem:$0x3FFB];
	_ =	sdelay $0x3  }
0x92: {  	_ =	strace s17  }
0x93: {  	s2 =	sld [smem:$0x3FFC];
	_ =	sdelay $0x3  }
0x94: {  	_ =	strace s2  }
0x95: {  	s2 =	sld [smem:$0x3FFD];
	_ =	sdelay $0x3  }
0x96: {  	_ =	strace s2  }
0x97: {  	_ =	strace $0x8FFFFFFF  }
0x98: {  	s18 =	sld [smem:$0x3FDB];
	_ =	sdelay $0x1  }
0x99: {  	s19 =	simm.s32 $_scs_section_size  }
0x9a: {  	s4 =	simm.s32 $_size__tile_overlayer_lowered;
	s5 =	simm.s32 $_tile_overlayer_lowered  }
0x9b: {  	s22 =	simm.s32 $0x1BFF;
	s21 =	sshll.u32 s5, $0x1;
	s2 =	sadd.s32 s19, s18  }
0x9c: {  	s6 =	simm.s32 $0x0;
	s20 =	sshll.u32 s4, $0x1;
	s4 =	sadd.s32 s21, s2  }
0x9d: {  	[timem:s6], [sflag:s22] =	dma.local [hbm:s4], s20  }
0x9e: {  	_ =	swait.ge [sflag:s22], s20  }
0x9f: {  	s3 =	ssub.s32 $0x0, s20;
	[sflag:s22] =	ssyncset.done $0x0  }
0xa0: {  	[sflag:s22] =	ssyncadd.s32 s3;
	_ =	sdelay $0x1  }
0xa1: {  	s23 =	simm.s32 $0x1B8B  }
0xa2: {  	_ =	swait.ge [sflag:s23], $0x1  }
0xa3: {  	[sflag:s23] =	ssyncset.done $0x0  }
0xa4: {  	s25 =	simm.s32 $0x1B8E;
	s24 =	sld [smem:$0x3FFE];
	[sflag:s23] =	ssyncadd.s32 $0xFFFFFFFF  }
0xa5: {  	s26 =	simm.s32 $execute0_lowered;
	[smem:$0x3FD2] =	sst s25  }
0xa6: {  	s4 =	sshll.u32 s26, $0x1;
	_ =	strace $0x80000046;
	[dreg:$0x1] =	wrdreg $0xFFFFFFFF  }
0xa7: {  	s28 =	simm.s32 $_size_execute0_lowered;
	s2 =	sadd.s32 s2, s4;
	[dreg:$0x0] =	wrdreg $0x0  }
0xa8: {  	s4 =	sshll.u32 s28, $0x1;
	[dreg:$0x2] =	wrdreg s2  }
0xa9: {  	[dreg:$0x3] =	wrdreg s4  }
0xaa: {  	[dreg:$0x4] =	wrdreg $0xC0  }
0xab: {  	_ =	task [dreg:s6], $0x5FFFF  }
0xac: {  	[dreg:$0x1] =	wrdreg $0xFFFFFFFF  }
0xad: {  	[dreg:$0x0] =	wrdreg $0x60  }
0xae: {  	[dreg:$0x2] =	wrdreg s24  }
0xaf: {  	[dreg:$0x3] =	wrdreg $0x9  }
0xb0: {  	_ =	task.clear_ibuf [dreg:s6], $0x4FFFF;
	_ =	strace $0x90000046  }
0xb1: {  	s29 =	simm.s32 $0x9;
	_ =	strace $0x80000048  }
0xb2: {  	_ =	swait.ge [sflag:s29], $0x1  }
0xb3: {  	[sflag:s29] =	ssyncadd.s32 $0xFFFFFFFF  }
0xb4: {  	_ =	strace $0x90000048  }
0xb5: {  	_ =	sfence  }
0xb6: {  	s30 =	sld [smem:$0x0];
	_ =	sdelay $0x2  }
0xb7: {  	s31 =	sshll.u32 s1, $0xD;
	s1 =	sshrl.u32 s1, $0x2  }
0xb8: {  	s3 =	sand.u32 $0x4000, s31;
	s1 =	sadd.s32 s1, s30  }
0xb9: {  	s0 =	sor.u32 s3, s0;
	s1 =	sshll.u32 s1, $0x11  }
0xba: {  	s0 =	sor.u32 s1, s0  }
0xbb: {  	s0 =	sadd.s32 $0x8F2B, s0  }
0xbc: {  	[sflag:s0] =	ssyncadd.remote.s32 $0x1  }
0xbd: {  	_ =	sfence.sel $0xFFFF  }
0xbe: {  	[dreg:$0x0] =	wrdreg $0xFFFFFFFF;
	(pc) =	sbr.abs _section_cstart, $3  }
0xbf: {  	[dreg:$0x1] =	wrdreg $0xFFFFFFFF  }
0xc0: {  	_ =	task.clear_ibuf [dreg:s6], $0x2FFFF;
	_ =	strace $0x9FFFFFFF  }
0xc1: {  	(tm) =	ssettm $0x7FFFFFFF  }
tec
execute0_lowered:
.L_overlay_start_1:
0x0: {  	(tag) =	ssettag $0x1  }
0x1: {  	s1 =	srdreg.scid  }
0x2: {  	s0 =	stileid.u32;
	s6 =	rddreg [dreg:$0x0]  }
0x3: {  	s2 =	simm.s32 $0x0;
	s13 =	simm.s32 $0x4800;
	s14 =	simm.s32 $0x7C00  }
0x4: {  	s15 =	simm.s32 $0xB000;
	s5 =	sand.u32 $0x1, s1;
	s30 =	sshll.u32 s0, $0x1  }
0x5: {  	s16 =	simm.s32 $0x0;
	s11 =	smul.u32 $0x6800, s0;
	s1 =	sor.u32 s5, s30  }
0x6: {  	[smem:$0x7FF] =	sst s2;
	s9 =	ssub.s32 $0x2, s5;
	s4 =	smul.u32 $0x3400, s1  }
0x7: {  	s12 =	smul.u32 $0x3400, s5;
	s1 =	rddreg [dreg:$0x1];
	s31 =	sshrl.u32 s9, $0x1  }
0x8: {  	_ =	strace $0x80000047;
	s9 =	ssub.s32 s9, s31;
	s3 =	sshrl.u32 s4, $0xE  }
0x9: {  	s4 =	sshrl.u32 s4, $0x3;
	s9 =	smax.u32 s9, $0x1;
	s7 =	sshll.u32 s3, $0xA  }
0xa: {  	s8 =	sshll.u32 s3, $0x7;
	s10 =	sadd.s32 s4, s6;
	s7 =	sadd.s32 s7, s6  }
0xb: {  	s8 =	sadd.s32 s8, s6;
	s6 =	sadd.s32 $0x15000, s10;
	s4 =	sadd.s32 $0x1400, s7  }
0xc: {  	s5 =	sadd.s32 $0x22000, s8;
	s7 =	sadd.s32 $0x8000, s10;
	s8 =	sadd.s32 $0x22E00, s10  }
0xd: {  	s10 =	sadd.s32 s12, s11;
	s11 =	simm.s32 $0x1;
	s12 =	simm.s32 $0x4000  }
.LBB2_1:
0xe: {  	[tilespmem:s2], [sflag:$0x1] =	stream.linear.gather [hbm4b:s4+s2], $0x4000, $0x38;
	[tilespmem:$0xE400] =	vst v63  }
0xf: {  	_ =	swait.ge [sflag:s11], $0x4000  }
0x10: {  	[sflag:s11] =	ssyncset.done $0x0  }
0x11: {  	[sflag:s11] =	ssyncadd.s32 $0xFFFFC000  }
0x12: {  	[tilespmem:s12], [sflag:$0x1] =	stream.linear.gather [hbm4b:s5+s2], $0x800, $0x38;
	[tilespmem:$0xE400] =	vst v63  }
0x13: {  	_ =	swait.ge [sflag:s11], $0x800  }
0x14: {  	[sflag:s11] =	ssyncset.done $0x0  }
0x15: {  	[sflag:s11] =	ssyncadd.s32 $0xFFFFF800  }
0x16: {  	[tilespmem:s13], [sflag:$0x1] =	stream.linear.gather [hbm4b:s6+s2], $0x3400, $0x38;
	[tilespmem:$0xE400] =	vst v63  }
0x17: {  	_ =	swait.ge [sflag:s11], $0x3400  }
0x18: {  	[sflag:s11] =	ssyncset.done $0x0  }
0x19: {  	[sflag:s11] =	ssyncadd.s32 $0xFFFFCC00  }
0x1a: {  	[tilespmem:s14], [sflag:$0x1] =	stream.linear.gather [hbm4b:s7+s2], $0x3400, $0x38;
	[tilespmem:$0xE400] =	vst v63  }
0x1b: {  	_ =	swait.ge [sflag:s11], $0x3400  }
0x1c: {  	[sflag:s11] =	ssyncset.done $0x0  }
0x1d: {  	s18 =	simm.s32 $0x0;
	[sflag:s11] =	ssyncadd.s32 $0xFFFFCC00  }
0x1e: {  	v2 =	vld [tilespmem:s18+$0x4800]  }
0x1f: {  	v3 =	vld [tilespmem:s18+$0x7C00]  }
0x20: {  	s17 =	sshrl.u32 s10, $0xE  }
0x21: {  	s19 =	ssub.s32 s17, s3  }
0x22: {  	s17 =	sshll.u32 s19, $0xD  }
0x23: {  	v1 =	vand.u32 $0x7, v2;
	v4 =	vor.u32 s17, v2  }
0x24: {  	v5 =	vand.u32 $0x7, v3;
	v6 =	vor.u32 s17, v3;
	v7 =	vand.u32 $0xFFFFE3F8, v4  }
0x25: {  	v8 =	vand.u32 $0xFFFFE7F8, v4;
	v9 =	vand.u32 $0xFFFFE3F8, v6;
	v0 =	vand.u32 $0xFFFFFBF8, v6  }
0x26: {  	v10 =	vand.u32 $0xFFFFF7F8, v6;
	v11 =	vand.u32 $0xFFFFFBF8, v4;
	v0 =	vor.u32 v0, v5  }
0x27: {  	v14 =	vand.u32 $0xFFFFF3F8, v6;
	v11 =	vor.u32 v11, v1;
	v12 =	vor.u32 $0x400, v0  }
0x28: {  	v10 =	vor.u32 v10, v5;
	v0 =	vand.u32 $0xFFFFF7F8, v4;
	v11 =	vor.u32 $0x400, v11  }
0x29: {  	v15 =	vand.u32 $0xFFFFF3F8, v4;
	v10 =	vor.u32 $0x800, v10;
	v13 =	vor.u32 v0, v1  }
0x2a: {  	v18 =	vand.u32 $0xFFFFEFF8, v6;
	v14 =	vor.u32 v14, v5;
	v16 =	vld.idx.msk [tilespmem:v6+s2+$0x0], $0xffff;
	v13 =	vor.u32 $0x800, v13  }
0x2b: {  	v19 =	vand.u32 $0xFFFFEFF8, v4;
	v15 =	vor.u32 v15, v1;
	v14 =	vor.u32 $0xC00, v14;
	v17 =	vld.idx.msk [tilespmem:v4+s2+$0x0], $0xffff  }
0x2c: {  	v20 =	vand.u32 $0xFFFFEBF8, v6;
	v18 =	vor.u32 v18, v5;
	v15 =	vor.u32 $0xC00, v15;
	v12 =	vld.idx.msk [tilespmem:v12+s2+$0x0], $0xffff  }
0x2d: {  	v19 =	vor.u32 v19, v1;
	v20 =	vor.u32 v20, v5;
	v18 =	vor.u32 $0x1000, v18;
	v11 =	vld.idx.msk [tilespmem:v11+s2+$0x0], $0xffff  }
0x2e: {  	v8 =	vor.u32 v8, v1;
	v19 =	vor.u32 $0x1000, v19;
	v4 =	vand.u32 $0xFFFFEBF8, v4;
	v10 =	vld.idx.msk [tilespmem:v10+s2+$0x0], $0xffff  }
0x2f: {  	v20 =	vor.u32 $0x1400, v20;
	v6 =	vand.u32 $0xFFFFE7F8, v6;
	v4 =	vor.u32 v4, v1;
	v13 =	vld.idx.msk [tilespmem:v13+s2+$0x0], $0xffff  }
0x30: {  	v6 =	vor.u32 v6, v5;
	v4 =	vor.u32 $0x1400, v4;
	v14 =	vld.idx.msk [tilespmem:v14+s2+$0x0], $0xffff;
	v16 =	vmul.bf16 v16, v17  }
0x31: {  	v8 =	vor.u32 $0x1800, v8;
	v5 =	vor.u32 v9, v5;
	v6 =	vor.u32 $0x1800, v6;
	v9 =	vld.idx.msk [tilespmem:v15+s2+$0x0], $0xffff  }
0x32: {  	v56 =	vld.idx.msk [tilespmem:v18+s2+$0x0], $0xffff;
	v17 =	vunpack.i.u.bf16.f32 v16;
	v16 =	vunpack.i.l.bf16.f32 v16;
	v11 =	vmul.bf16 v12, v11  }
0x33: {  	v1 =	vor.u32 v7, v1;
	v5 =	vor.u32 $0x1C00, v5;
	v7 =	vld.idx.msk [tilespmem:v19+s2+$0x0], $0xffff;
	v57 =	vadd.f32 v16, v17  }
0x34: {  	v58 =	vld.idx.msk [tilespmem:v20+s2+$0x0], $0xffff;
	v59 =	vunpack.i.u.bf16.f32 v11;
	v11 =	vunpack.i.l.bf16.f32 v11;
	v10 =	vmul.bf16 v10, v13  }
0x35: {  	v60 =	vor.u32 $0x1C00, v1;
	v4 =	vld.idx.msk [tilespmem:v4+s2+$0x0], $0xffff;
	v1 =	vadd.f32 $0.0e+00, v57;
	v11 =	vadd.f32 v11, v59  }
0x36: {  	s17 =	simm.s32 $0x10;
	v61 =	vld.idx.msk [tilespmem:v6+s2+$0x0], $0xffff;
	v9 =	vmul.bf16 v14, v9;
	v6 =	vunpack.i.u.bf16.f32 v10;
	v10 =	vunpack.i.l.bf16.f32 v10  }
0x37: {  	v0 =	vld [tilespmem:s17+$0x4800];
	v11 =	vadd.f32 v11, v1;
	v6 =	vadd.f32 v10, v6  }
0x38: {  	v8 =	vld.idx.msk [tilespmem:v8+s2+$0x0], $0xffff;
	v14 =	vunpack.i.u.bf16.f32 v9;
	v9 =	vunpack.i.l.bf16.f32 v9  }
0x39: {  	s19 =	sshll.u32 s19, $0xA;
	v9 =	vadd.f32 v9, v14;
	v1 =	vld [tilespmem:s17+$0x7C00];
	v6 =	vadd.f32 v6, v11  }
0x3a: {  	v7 =	vmul.bf16 v56, v7;
	v10 =	vor.u32 s19, v2;
	v11 =	vmul.bf16 v58, v4;
	v4 =	vld.idx.msk [tilespmem:v5+s2+$0x0], $0xffff  }
0x3b: {  	v9 =	vadd.f32 v9, v6;
	v6 =	vld.idx.msk [tilespmem:v60+s2+$0x0], $0xffff  }
0x3c: {  	vm0 =	veq.s32 v2, v3;
	v3 =	vunpack.i.u.bf16.f32 v7;
	v7 =	vunpack.i.l.bf16.f32 v7  }
0x3d: {  	s20 =	sadd.s32 $0x10, s10;
	v62 =	vadd.f32 v7, v3;
	v7 =	vmul.bf16 v61, v8  }
0x3e: {  	s31 =	sshrl.u32 s20, $0xE;
	v2 =	vand.u32 $0x7, v0;
	v63 =	vunpack.i.u.bf16.f32 v11;
	v11 =	vunpack.i.l.bf16.f32 v11  }
0x3f: {  	s21 =	simm.s32 $0x80;
	s19 =	ssub.s32 s31, s3;
	v5 =	vld.idx.msk [tilespmem:v10+s12+$0x0], $0xffff;
	v3 =	vand.u32 $0x7, v1;
	v8 =	vadd.f32 v62, v9;
	v9 =	vadd.f32 v11, v63  }
.LBB2_2:
0x40: {  	p0 =	sne.s32 s21, $0xCFC0;
	s22 =	sshll.u32 s19, $0xD;
	v10 =	vunpack.i.u.bf16.f32 v7;
	v7 =	vunpack.i.l.bf16.f32 v7;
	v4 =	vmul.bf16 v4, v6  }
0x41: {  	v6 =	vor.u32 s22, v0;
	v8 =	vadd.f32 v9, v8;
	v7 =	vadd.f32 v7, v10  }
0x42: {  	v9 =	vor.u32 s22, v1;
	v10 =	vunpack.i.u.bf16.f32 v4;
	v4 =	vunpack.i.l.bf16.f32 v4  }
0x43: {  	v11 =	vand.u32 $0xFFFFE3F8, v6;
	v7 =	vadd.f32 v7, v8;
	v4 =	vadd.f32 v4, v10  }
0x44: {  	v8 =	vand.u32 $0xFFFFE7F8, v6;
	v10 =	vand.u32 $0xFFFFE3F8, v9;
	v5 =	vmul.f32 v5, v5  }
0x45: {  	v12 =	vand.u32 $0xFFFFFBF8, v9;
	v13 =	vand.u32 $0xFFFFF7F8, v9;
	v4 =	vadd.f32 v4, v7  }
0x46: {  	v12 =	vor.u32 v12, v3;
	v7 =	vand.u32 $0xFFFFFBF8, v6;
	v5 =	vnsel vm0, $0x0, v5  }
0x47: {  	s22 =	sshra.s32 s21, $0x2;
	v12 =	vor.u32 $0x400, v12;
	v7 =	vor.u32 v7, v2;
	v4 =	vadd.f32 v5, v4  }
0x48: {  	v14 =	vand.u32 $0xFFFFF7F8, v6;
	v13 =	vor.u32 v13, v3;
	v7 =	vor.u32 $0x400, v7;
	v5 =	vld [tilespmem:s22+$0x4800]  }
0x49: {  	v16 =	vand.u32 $0xFFFFF3F8, v9;
	v14 =	vor.u32 v14, v2;
	v13 =	vor.u32 $0x800, v13;
	v15 =	vld [tilespmem:s22+$0x7C00];
	[tilespmem:s18+$0xB000] =	vst v4;
	s18 =	smov.u32 s17;
	s17 =	smov.u32 s22  }
0x4a: {  	v17 =	vand.u32 $0xFFFFF3F8, v6;
	v16 =	vor.u32 v16, v3;
	v14 =	vor.u32 $0x800, v14;
	v4 =	vld.idx.msk [tilespmem:v9+s2+$0x0], $0xffff  }
0x4b: {  	v19 =	vand.u32 $0xFFFFEFF8, v9;
	v17 =	vor.u32 v17, v2;
	v16 =	vor.u32 $0xC00, v16;
	v18 =	vld.idx.msk [tilespmem:v6+s2+$0x0], $0xffff  }
0x4c: {  	v20 =	vand.u32 $0xFFFFEFF8, v6;
	v19 =	vor.u32 v19, v3;
	v17 =	vor.u32 $0xC00, v17;
	v12 =	vld.idx.msk [tilespmem:v12+s2+$0x0], $0xffff  }
0x4d: {  	v21 =	vand.u32 $0xFFFFEBF8, v9;
	v20 =	vor.u32 v20, v2;
	v19 =	vor.u32 $0x1000, v19;
	v7 =	vld.idx.msk [tilespmem:v7+s2+$0x0], $0xffff  }
0x4e: {  	v21 =	vor.u32 v21, v3;
	v20 =	vor.u32 $0x1000, v20;
	v6 =	vand.u32 $0xFFFFEBF8, v6;
	v13 =	vld.idx.msk [tilespmem:v13+s2+$0x0], $0xffff  }
0x4f: {  	v21 =	vor.u32 $0x1400, v21;
	v9 =	vand.u32 $0xFFFFE7F8, v9;
	v6 =	vor.u32 v6, v2;
	v14 =	vld.idx.msk [tilespmem:v14+s2+$0x0], $0xffff  }
0x50: {  	v9 =	vor.u32 v9, v3;
	v3 =	vor.u32 v10, v3;
	v6 =	vor.u32 $0x1400, v6;
	v16 =	vld.idx.msk [tilespmem:v16+s2+$0x0], $0xffff  }
0x51: {  	v8 =	vor.u32 v8, v2;
	v9 =	vor.u32 $0x1800, v9;
	v4 =	vmul.bf16 v4, v18;
	v10 =	vld.idx.msk [tilespmem:v17+s2+$0x0], $0xffff  }
0x52: {  	v8 =	vor.u32 $0x1800, v8;
	v2 =	vor.u32 v11, v2;
	v3 =	vor.u32 $0x1C00, v3;
	v17 =	vld.idx.msk [tilespmem:v19+s2+$0x0], $0xffff  }
0x53: {  	v11 =	vunpack.i.u.bf16.f32 v4;
	v4 =	vunpack.i.l.bf16.f32 v4;
	v7 =	vmul.bf16 v12, v7;
	v12 =	vld.idx.msk [tilespmem:v20+s2+$0x0], $0xffff  }
0x54: {  	v2 =	vor.u32 $0x1C00, v2;
	v4 =	vadd.f32 v4, v11;
	v11 =	vld.idx.msk [tilespmem:v21+s2+$0x0], $0xffff  }
0x55: {  	v18 =	vunpack.i.u.bf16.f32 v7;
	v7 =	vunpack.i.l.bf16.f32 v7;
	v13 =	vmul.bf16 v13, v14;
	v14 =	vld.idx.msk [tilespmem:v6+s2+$0x0], $0xffff  }
0x56: {  	v4 =	vadd.f32 $0.0e+00, v4;
	v6 =	vadd.f32 v7, v18;
	v7 =	vld.idx.msk [tilespmem:v9+s2+$0x0], $0xffff  }
0x57: {  	s19 =	sshll.u32 s19, $0xA;
	v9 =	vunpack.i.u.bf16.f32 v13;
	v13 =	vunpack.i.l.bf16.f32 v13;
	v10 =	vmul.bf16 v16, v10;
	v8 =	vld.idx.msk [tilespmem:v8+s2+$0x0], $0xffff  }
0x58: {  	v16 =	vadd.f32 v6, v4;
	v9 =	vadd.f32 v13, v9;
	v4 =	vld.idx.msk [tilespmem:v3+s2+$0x0], $0xffff;
	v3 =	vor.u32 s19, v0  }
0x59: {  	v13 =	vunpack.i.u.bf16.f32 v10;
	v10 =	vunpack.i.l.bf16.f32 v10;
	v12 =	vmul.bf16 v17, v12;
	v6 =	vld.idx.msk [tilespmem:v2+s2+$0x0], $0xffff  }
.Ltmp0:
0x5a: {  	vm0 =	veq.s32 v0, v1;
	v0 =	vmovc v5;
	v9 =	vadd.f32 v9, v16;
	v10 =	vadd.f32 v10, v13;
	(pc) =	sbr.rel @p0 .LBB2_2-.Ltmp0, $4  }
0x5b: {  	v1 =	vmovc v15;
	v5 =	vunpack.i.u.bf16.f32 v12;
	v12 =	vunpack.i.l.bf16.f32 v12;
	v11 =	vmul.bf16 v11, v14  }
0x5c: {  	s20 =	sadd.s32 $0x10, s20;
	v2 =	vand.u32 $0x7, v0;
	v9 =	vadd.f32 v10, v9;
	v10 =	vadd.f32 v12, v5  }
0x5d: {  	s19 =	sshrl.u32 s20, $0xE;
	v12 =	vunpack.i.u.bf16.f32 v11;
	v11 =	vunpack.i.l.bf16.f32 v11;
	v7 =	vmul.bf16 v7, v8;
	v5 =	vld.idx.msk [tilespmem:v3+s12+$0x0], $0xffff  }
0x5e: {  	s21 =	sadd.s32 $0x40, s21;
	s19 =	ssub.s32 s19, s3;
	v3 =	vand.u32 $0x7, v1;
	v8 =	vadd.f32 v10, v9;
	v9 =	vadd.f32 v11, v12  }
0x5f: {  	v10 =	vunpack.i.u.bf16.f32 v7;
	v33 =	vunpack.i.l.bf16.f32 v7;
	v4 =	vmul.bf16 v4, v6  }
0x60: {  	s20 =	sshll.u32 s19, $0xD;
	v34 =	vadd.f32 v9, v8;
	v7 =	vadd.f32 v33, v10  }
0x61: {  	v35 =	vor.u32 s20, v0;
	v36 =	vor.u32 s20, v1;
	v37 =	vunpack.i.u.bf16.f32 v4  }
0x62: {  	v4 =	vunpack.i.l.bf16.f32 v4;
	v11 =	vand.u32 $0xFFFFE3F8, v35;
	v38 =	vand.u32 $0xFFFFE7F8, v35  }
0x63: {  	v39 =	vand.u32 $0xFFFFE3F8, v36;
	v6 =	vadd.f32 v7, v34;
	v4 =	vadd.f32 v4, v37  }
0x64: {  	v12 =	vand.u32 $0xFFFFFBF8, v36;
	v13 =	vand.u32 $0xFFFFF7F8, v36;
	v5 =	vmul.f32 v5, v5  }
0x65: {  	v40 =	vand.u32 $0xFFFFFBF8, v35;
	v41 =	vand.u32 $0xFFFFF7F8, v35;
	v4 =	vadd.f32 v4, v6  }
0x66: {  	v14 =	vand.u32 $0xFFFFF3F8, v36;
	v12 =	vor.u32 v12, v3;
	v5 =	vnsel vm0, $0x0, v5  }
0x67: {  	v12 =	vor.u32 $0x400, v12;
	v6 =	vor.u32 v40, v2;
	v4 =	vadd.f32 v5, v4  }
0x68: {  	v43 =	vand.u32 $0xFFFFF3F8, v35;
	v13 =	vor.u32 v13, v3;
	v6 =	vor.u32 $0x400, v6  }
0x69: {  	v16 =	vand.u32 $0xFFFFEFF8, v36;
	v13 =	vor.u32 $0x800, v13;
	v5 =	vor.u32 v41, v2;
	[tilespmem:s18+$0xB000] =	vst v4  }
0x6a: {  	v18 =	vand.u32 $0xFFFFEFF8, v35;
	v14 =	vor.u32 v14, v3;
	v42 =	vor.u32 $0x800, v5;
	v15 =	vld.idx.msk [tilespmem:v36+s2+$0x0], $0xffff  }
0x6b: {  	v19 =	vand.u32 $0xFFFFEBF8, v36;
	v14 =	vor.u32 $0xC00, v14;
	v5 =	vor.u32 v43, v2;
	v17 =	vld.idx.msk [tilespmem:v35+s2+$0x0], $0xffff  }
0x6c: {  	v8 =	vand.u32 $0xFFFFEBF8, v35;
	v16 =	vor.u32 v16, v3;
	v5 =	vor.u32 $0xC00, v5;
	v12 =	vld.idx.msk [tilespmem:v12+s2+$0x0], $0xffff  }
0x6d: {  	v9 =	vand.u32 $0xFFFFE7F8, v36;
	v18 =	vor.u32 v18, v2;
	v16 =	vor.u32 $0x1000, v16;
	v6 =	vld.idx.msk [tilespmem:v6+s2+$0x0], $0xffff  }
0x6e: {  	v19 =	vor.u32 v19, v3;
	v8 =	vor.u32 v8, v2;
	v18 =	vor.u32 $0x1000, v18;
	v13 =	vld.idx.msk [tilespmem:v13+s2+$0x0], $0xffff  }
0x6f: {  	v9 =	vor.u32 v9, v3;
	v44 =	vor.u32 v39, v3;
	v19 =	vor.u32 $0x1400, v19;
	v4 =	vld.idx.msk [tilespmem:v42+s2+$0x0], $0xffff  }
0x70: {  	v7 =	vor.u32 v38, v2;
	v8 =	vor.u32 $0x1400, v8;
	v14 =	vld.idx.msk [tilespmem:v14+s2+$0x0], $0xffff;
	v45 =	vmul.bf16 v15, v17  }
0x71: {  	v46 =	vor.u32 v11, v2;
	v9 =	vor.u32 $0x1800, v9;
	v7 =	vor.u32 $0x1800, v7;
	v5 =	vld.idx.msk [tilespmem:v5+s2+$0x0], $0xffff  }
0x72: {  	v47 =	vld.idx.msk [tilespmem:v16+s2+$0x0], $0xffff;
	v6 =	vmul.bf16 v12, v6;
	v15 =	vunpack.i.u.bf16.f32 v45;
	v10 =	vunpack.i.l.bf16.f32 v45  }
0x73: {  	v3 =	vor.u32 $0x1C00, v44;
	v2 =	vor.u32 $0x1C00, v46;
	v48 =	vld.idx.msk [tilespmem:v18+s2+$0x0], $0xffff;
	v10 =	vadd.f32 v10, v15  }
0x74: {  	v49 =	vld.idx.msk [tilespmem:v19+s2+$0x0], $0xffff;
	v50 =	vunpack.i.u.bf16.f32 v6;
	v6 =	vunpack.i.l.bf16.f32 v6;
	v4 =	vmul.bf16 v13, v4  }
0x75: {  	v8 =	vld.idx.msk [tilespmem:v8+s2+$0x0], $0xffff;
	v6 =	vadd.f32 v6, v50;
	v10 =	vadd.f32 $0.0e+00, v10  }
0x76: {  	s31 =	sshll.u32 s19, $0xA;
	v9 =	vld.idx.msk [tilespmem:v9+s2+$0x0], $0xffff;
	v5 =	vmul.bf16 v14, v5;
	v13 =	vunpack.i.u.bf16.f32 v4;
	v4 =	vunpack.i.l.bf16.f32 v4  }
0x77: {  	v51 =	vor.u32 s31, v0;
	v7 =	vld.idx.msk [tilespmem:v7+s2+$0x0], $0xffff;
	v4 =	vadd.f32 v4, v13;
	v6 =	vadd.f32 v6, v10  }
0x78: {  	v3 =	vld.idx.msk [tilespmem:v3+s2+$0x0], $0xffff;
	v11 =	vmul.bf16 v47, v48;
	v52 =	vunpack.i.u.bf16.f32 v5;
	v5 =	vunpack.i.l.bf16.f32 v5  }
0x79: {  	v2 =	vld.idx.msk [tilespmem:v2+s2+$0x0], $0xffff;
	v5 =	vadd.f32 v5, v52;
	v4 =	vadd.f32 v4, v6  }
0x7a: {  	v8 =	vmul.bf16 v49, v8;
	v53 =	vunpack.i.u.bf16.f32 v11;
	v11 =	vunpack.i.l.bf16.f32 v11  }
0x7b: {  	v54 =	vadd.f32 v11, v53;
	v4 =	vadd.f32 v5, v4  }
0x7c: {  	v7 =	vmul.bf16 v9, v7;
	v55 =	vunpack.i.u.bf16.f32 v8;
	v8 =	vunpack.i.l.bf16.f32 v8  }
0x7d: {  	v56 =	vld.idx.msk [tilespmem:v51+s12+$0x0], $0xffff;
	v57 =	vadd.f32 v8, v55;
	v4 =	vadd.f32 v54, v4  }
0x7e: {  	v58 =	vunpack.i.u.bf16.f32 v7;
	v7 =	vunpack.i.l.bf16.f32 v7;
	v2 =	vmul.bf16 v3, v2  }
0x7f: {  	v60 =	vadd.f32 v7, v58;
	v59 =	vadd.f32 v57, v4  }
0x80: {  	v61 =	vunpack.i.u.bf16.f32 v2;
	v2 =	vunpack.i.l.bf16.f32 v2  }
0x81: {  	v2 =	vadd.f32 v2, v61;
	v3 =	vadd.f32 v60, v59  }
0x82: {  	v62 =	vmul.f32 v56, v56  }
0x83: {  	vm15 =	veq.s32 v0, v1;
	v63 =	vadd.f32 v2, v3  }
0x84: {  	v1 =	vnsel vm15, $0x0, v62  }
0x85: {  	s16 =	sadd.s32 $0x1, s16;
	v0 =	vadd.f32 v1, v63  }
0x86: {  	p0 =	sne.s32 s16, s9  }
.Ltmp1:
0x87: {  	[tilespmem:s17+$0xB000] =	vst v0;
	(pc) =	sbr.rel @p0 .LBB2_1-.Ltmp1, $4  }
0x88: {  	[hbm4b:s8+s2] =	stream.linear.scatter [tilespmem:s15], [sflag:$0x1], $0x3400, $0x38;
	[tilespmem:$0xE400] =	vst v63  }
0x89: {  	_ =	swait.ge [sflag:s11], $0x3400  }
0x8a: {  	[sflag:s11] =	ssyncset.done $0x0  }
0x8b: {  	[sflag:s11] =	ssyncadd.s32 $0xFFFFCC00  }
0x8c: {  	_ =	sfence.sel $0x180000  }
0x8d: {  	[bflag:$0x0] =	sbarrier.arrive $0xFFFF  }
0x8e: {  	p0 =	sne.s32 s0, $0x0;
	_ =	strace $0x90000047  }
0x8f: {  	s0 =	sadd.s32 @!p0 $0x100000, s1;
	[bflag:$0x2] =	sbarrier.arrive $0xFFFF  }
0x90: {  	[sflag:s0] =	ssyncadd.tile.s32 @!p0 $0x1;
	_ =	shalt  }
.Lfunc_end2:
_tile_overlayer_lowered:
.L_overlay_start_2:
0x91: {  	(tag) =	ssettag $0x2  }
0x92: {  	s0 =	rddreg [dreg:$0x0];
	s2 =	stileid.u32  }
0x93: {  	s1 =	rddreg [dreg:$0x1];
	p0 =	sne.s32 s2, $0x0  }
0x94: {  	s3 =	rddreg [dreg:$0x2];
	[bflag:$0x3] =	sbarrier.arrive $0xFFFF;
	s2 =	simm.s32 @!p0 $0x1C01  }
0x95: {  	[timem:s3], [sflag:s2] =	dma.local @!p0 [hbm:s0], s1  }
0x96: {  	s0 =	simm.s32 @!p0 $0x1  }
0x97: {  	_ =	swait.ge @!p0 [sflag:s0], s1  }
0x98: {  	s1 =	ssub.s32 @!p0 $0x0, s1;
	[sflag:s0] =	ssyncset.done @!p0 $0x0  }
0x99: {  	[sflag:s0] =	ssyncadd.s32 @!p0 s1  }
0x9a: {  	[bflag:$0x3] =	sbarrier.arrive $0xFFFF  }
0x9b: {  	_ =	shalt  }

</sc_bundles>
